<compile_context>
chip_gen: v7x
topology: tpu7x:2x2x1
jax: 0.10.2.dev20260603
libtpu: 0.0.44.dev20260713+nightly
codegen_flags: <defaults>
</compile_context>

<pallas_src>
import functools

import jax
import jax.numpy as jnp
from jax import lax
from jax.experimental import pallas as pl
from jax.experimental.pallas import tpu as pltpu
from jax.experimental.pallas import tpu_sc as plsc

NC, NS = 2, 16
NW = NC * NS
V = 48
D = 64
CHUNK = 640
IDX_SUB = CHUNK // 128
NB = 2


@functools.lru_cache(maxsize=None)
def _make_sc_gather(B: int):
    assert B % (NW * CHUNK * NB) == 0
    b_per_w = B // NW
    n_chunks = b_per_w // CHUNK
    idx_rows_per_w = b_per_w // 128
    mesh = plsc.VectorSubcoreMesh(core_axis_name="c", subcore_axis_name="s")

    @functools.partial(
        pl.kernel,
        mesh=mesh,
        out_type=jax.ShapeDtypeStruct((B, D), jnp.float32),
        scratch_types=[
            pltpu.VMEM_SHARED((V, D), jnp.float32),
            pltpu.VMEM((NB, IDX_SUB, 128), jnp.int32),
            pltpu.VMEM((NB, CHUNK, D), jnp.float32),
            pltpu.SemaphoreType.DMA((NB,)),
            pltpu.SemaphoreType.DMA((NB,)),
            pltpu.SemaphoreType.DMA((NB,)),
        ],
        compiler_params=pltpu.CompilerParams(use_tc_tiling_on_sc=False,
                                             needs_layout_passes=False),
    )
    def k(table_hbm, idx_hbm, out_hbm, table_v, idx_v, rows_v, idx_sem,
          gat_sem, out_sem):
        wid = lax.axis_index("s") * NC + lax.axis_index("c")
        irow0 = wid * idx_rows_per_w
        orow0 = wid * b_per_w

        def idx_copy(g, s):
            return pltpu.make_async_copy(
                idx_hbm.at[pl.ds(irow0 + g * IDX_SUB, IDX_SUB)],
                idx_v.at[s], idx_sem.at[s])

        def gat_copy(s, j):
            return pltpu.make_async_copy(
                table_v.at[idx_v.at[s].at[j]],
                rows_v.at[s].at[pl.ds(j * 128, 128)], gat_sem.at[s])

        def out_copy(g, s):
            return pltpu.make_async_copy(
                rows_v.at[s],
                out_hbm.at[pl.ds(orow0 + g * CHUNK, CHUNK)], out_sem.at[s])

        @pl.when(lax.axis_index("s") == 0)
        def _():
            pltpu.sync_copy(table_hbm, table_v)

        plsc.subcore_barrier()
        for s in range(NB):
            idx_copy(s, s).start()

        def outer(i, carry):
            g0 = i * NB
            for s in range(NB):
                g = g0 + s
                idx_copy(g, s).wait()

                @pl.when(g >= NB)
                def _():
                    out_copy(g - NB, s).wait()

                for j in range(IDX_SUB):
                    gat_copy(s, j).start()
                for j in range(IDX_SUB):
                    gat_copy(s, j).wait()

                @pl.when(g + NB < n_chunks)
                def _():
                    idx_copy(g + NB, s).start()

                out_copy(g, s).start()
            return carry

        lax.fori_loop(0, n_chunks // NB, outer, 0)
        for s in range(NB):
            out_copy(n_chunks - NB + s, s).wait()

    return k


def kernel(timedelta, table):
    Bt, H = timedelta.shape
    B = Bt * H
    idx = timedelta.reshape(B // 128, 128).astype(jnp.int32)
    out = _make_sc_gather(B)(table, idx)
    return out.reshape(Bt, H, D)

# --- scband reference (transcript-rebuilt; emitter-appended) ---
"""Pipeline reference for scband-timedelta-embedding-model-463856468056 (READ-ONLY COPY).

The authoritative reference and input builder live on the scoring server;
editing this copy changes nothing except your own understanding.
"""

import jax, jax.numpy as jnp
import numpy as np

NUM_EMBEDDINGS = 48
EMBED_SIZE = 64
BATCH = 16384
HIST = 200

def setup_inputs(seed: int = 0) -> dict:
    key = jax.random.key(seed)
    k_idx, k_tab = jax.random.split(key)
    timedelta = jax.random.randint(k_idx, (BATCH, HIST), 0, NUM_EMBEDDINGS, dtype=jnp.int64 if jax.config.jax_enable_x64 else jnp.int32)
    table = jax.random.normal(k_tab, (NUM_EMBEDDINGS, EMBED_SIZE), dtype=jnp.float32)
    return {"timedelta": timedelta, "table": table}

def reference(timedelta, table):
    # nn.Embedding forward: gather rows of the table by index
    return jnp.take(table, timedelta, axis=0)

if __name__ == "__main__":
    import jax
    _d = setup_inputs()
    print(jax.jit(kernel)(*tuple(_d.values())))

</pallas_src>

<mosaic_0001>
#map = affine_map<(d0, d1) -> (0, 0)>
module attributes {stable_mosaic.version = 14 : i64} {
  func.func @k(%arg0: i32, %arg1: i32, %arg2: memref<48x64xf32, #tpu.memory_space<hbm>>, %arg3: memref<25600x128xi32, #tpu.memory_space<hbm>>, %arg4: memref<3276800x64xf32, #tpu.memory_space<hbm>>, %arg5: memref<48x64xf32, #tpu.memory_space<vmem_shared>>, %arg6: memref<2x5x128xi32, #tpu.memory_space<vmem>>, %arg7: memref<2x640x64xf32, #tpu.memory_space<vmem>>, %arg8: memref<2x!tpu.dma_semaphore, #tpu.memory_space<semaphore_mem>>, %arg9: memref<2x!tpu.dma_semaphore, #tpu.memory_space<semaphore_mem>>, %arg10: memref<2x!tpu.dma_semaphore, #tpu.memory_space<semaphore_mem>>) attributes {dimension_semantics = [#tpu.dimension_semantics<core_parallel>, #tpu.dimension_semantics<subcore_parallel>], iteration_bounds = array<i64: 2, 16>, scalar_prefetch = 0 : i64, scratch_operands = 6 : i64, tpu.core_type = #tpu.core_type<sc_vector_subcore>, window_params = [{transform_indices = #map}, {transform_indices = #map}, {transform_indices = #map}]} {
    %mul3A = arith.constant 2 : i32
    %mul3A_0 = arith.muli %arg1, %mul3A : i32
    %add3A = arith.addi %mul3A_0, %arg0 : i32
    %mul3A_1 = arith.constant 800 : i32
    %mul3A_2 = arith.muli %add3A, %mul3A_1 : i32
    %mul3A_3 = arith.constant 102400 : i32
    %mul3A_4 = arith.muli %add3A, %mul3A_3 : i32
    %eq3A = arith.constant 0 : i32
    %eq3A_5 = arith.cmpi eq, %arg1, %eq3A : i32
    %convert_element_type3A = arith.extui %eq3A_5 : i1 to i32
    %cond3A = arith.constant 0 : i32
    %cond3A_6 = arith.cmpi ne, %convert_element_type3A, %cond3A : i32
    scf.if %cond3A_6 {
      "tpu.region"() ({
        %run_scoped3A = tpu.sem_alloc : memref<!tpu.dma_semaphore, #tpu.memory_space<semaphore_mem>>
        tpu.enqueue_dma source(%arg2 : memref<48x64xf32, #tpu.memory_space<hbm>>) target(%arg5 : memref<48x64xf32, #tpu.memory_space<vmem_shared>>) target_semaphore(%run_scoped3A : memref<!tpu.dma_semaphore, #tpu.memory_space<semaphore_mem>>)
        tpu.wait_dma2 semaphore(%run_scoped3A : memref<!tpu.dma_semaphore, #tpu.memory_space<semaphore_mem>>) src(%arg2 : memref<48x64xf32, #tpu.memory_space<hbm>>) dst(%arg5 : memref<48x64xf32, #tpu.memory_space<vmem_shared>>)
        tpu.yield
      }) : () -> ()
    } else {
    }
    %barrier3A = arith.constant 0 : index
    tpu.barrier barrier_id(%barrier3A)
    %add3A_7 = arith.constant 0 : i32
    %add3A_8 = arith.addi %mul3A_2, %add3A_7 : i32
    %dma_start3A = arith.constant 0 : i32
    %dma_start3A_9 = arith.constant 0 : i32
    %dma_start3A_10 = arith.constant 0 : i32
    %dma_start3A_11 = arith.constant 0 : i32
    %dma_start3A_12 = tpu.memref_slice %arg6[%dma_start3A, %dma_start3A_10, %dma_start3A_11] : memref<2x5x128xi32, #tpu.memory_space<vmem>> -> memref<1x5x128xi32, #tpu.memory_space<vmem>>
    %dma_start3A_13 = tpu.memref_squeeze %dma_start3A_12 : memref<1x5x128xi32, #tpu.memory_space<vmem>> -> memref<5x128xi32, #tpu.memory_space<vmem>>
    %dma_start3A_14 = arith.constant 0 : i32
    %dma_start3A_15 = tpu.memref_slice %arg3[%add3A_8, %dma_start3A_14] : memref<25600x128xi32, #tpu.memory_space<hbm>> -> memref<5x128xi32, #tpu.memory_space<hbm>>
    %dma_start3A_16 = tpu.memref_slice %arg8[%dma_start3A_9] : memref<2x!tpu.dma_semaphore, #tpu.memory_space<semaphore_mem>> -> memref<1x!tpu.dma_semaphore, #tpu.memory_space<semaphore_mem>>
    %dma_start3A_17 = tpu.memref_squeeze %dma_start3A_16 : memref<1x!tpu.dma_semaphore, #tpu.memory_space<semaphore_mem>> -> memref<!tpu.dma_semaphore, #tpu.memory_space<semaphore_mem>>
    %dma_start3A_18 = arith.constant 0 : i32
    %dma_start3A_19 = arith.constant 0 : i32
    %dma_start3A_20 = tpu.memref_slice %arg6[%dma_start3A, %dma_start3A_18, %dma_start3A_19] : memref<2x5x128xi32, #tpu.memory_space<vmem>> -> memref<1x5x128xi32, #tpu.memory_space<vmem>>
    %dma_start3A_21 = tpu.memref_squeeze %dma_start3A_20 : memref<1x5x128xi32, #tpu.memory_space<vmem>> -> memref<5x128xi32, #tpu.memory_space<vmem>>
    %dma_start3A_22 = arith.constant 0 : i32
    %dma_start3A_23 = tpu.memref_slice %arg3[%add3A_8, %dma_start3A_22] : memref<25600x128xi32, #tpu.memory_space<hbm>> -> memref<5x128xi32, #tpu.memory_space<hbm>>
    tpu.enqueue_dma source(%dma_start3A_23 : memref<5x128xi32, #tpu.memory_space<hbm>>) target(%dma_start3A_21 : memref<5x128xi32, #tpu.memory_space<vmem>>) target_semaphore(%dma_start3A_17 : memref<!tpu.dma_semaphore, #tpu.memory_space<semaphore_mem>>)
    %add3A_24 = arith.constant 5 : i32
    %add3A_25 = arith.addi %mul3A_2, %add3A_24 : i32
    %dma_start3A_26 = arith.constant 1 : i32
    %dma_start3A_27 = arith.constant 1 : i32
    %dma_start3A_28 = arith.constant 0 : i32
    %dma_start3A_29 = arith.constant 0 : i32
    %dma_start3A_30 = tpu.memref_slice %arg6[%dma_start3A_26, %dma_start3A_28, %dma_start3A_29] : memref<2x5x128xi32, #tpu.memory_space<vmem>> -> memref<1x5x128xi32, #tpu.memory_space<vmem>>
    %dma_start3A_31 = tpu.memref_squeeze %dma_start3A_30 : memref<1x5x128xi32, #tpu.memory_space<vmem>> -> memref<5x128xi32, #tpu.memory_space<vmem>>
    %dma_start3A_32 = arith.constant 0 : i32
    %dma_start3A_33 = tpu.memref_slice %arg3[%add3A_25, %dma_start3A_32] : memref<25600x128xi32, #tpu.memory_space<hbm>> -> memref<5x128xi32, #tpu.memory_space<hbm>>
    %dma_start3A_34 = tpu.memref_slice %arg8[%dma_start3A_27] : memref<2x!tpu.dma_semaphore, #tpu.memory_space<semaphore_mem>> -> memref<1x!tpu.dma_semaphore, #tpu.memory_space<semaphore_mem>>
    %dma_start3A_35 = tpu.memref_squeeze %dma_start3A_34 : memref<1x!tpu.dma_semaphore, #tpu.memory_space<semaphore_mem>> -> memref<!tpu.dma_semaphore, #tpu.memory_space<semaphore_mem>>
    %dma_start3A_36 = arith.constant 0 : i32
    %dma_start3A_37 = arith.constant 0 : i32
    %dma_start3A_38 = tpu.memref_slice %arg6[%dma_start3A_26, %dma_start3A_36, %dma_start3A_37] : memref<2x5x128xi32, #tpu.memory_space<vmem>> -> memref<1x5x128xi32, #tpu.memory_space<vmem>>
    %dma_start3A_39 = tpu.memref_squeeze %dma_start3A_38 : memref<1x5x128xi32, #tpu.memory_space<vmem>> -> memref<5x128xi32, #tpu.memory_space<vmem>>
    %dma_start3A_40 = arith.constant 0 : i32
    %dma_start3A_41 = tpu.memref_slice %arg3[%add3A_25, %dma_start3A_40] : memref<25600x128xi32, #tpu.memory_space<hbm>> -> memref<5x128xi32, #tpu.memory_space<hbm>>
    tpu.enqueue_dma source(%dma_start3A_41 : memref<5x128xi32, #tpu.memory_space<hbm>>) target(%dma_start3A_39 : memref<5x128xi32, #tpu.memory_space<vmem>>) target_semaphore(%dma_start3A_35 : memref<!tpu.dma_semaphore, #tpu.memory_space<semaphore_mem>>)
    %scan3A = arith.constant 0 : i32
    %scan3A_42 = arith.constant 0 : i32
    %scan3A_43 = arith.constant 80 : i32
    %scan3A_44 = arith.addi %scan3A_42, %scan3A_43 : i32
    %scan3A_45 = arith.constant 1 : i32
    scf.for %scan3A_82 = %scan3A_42 to %scan3A_44 step %scan3A_45  : i32 {
      %mul3A_83 = arith.constant 2 : i32
      %mul3A_84 = arith.muli %scan3A_82, %mul3A_83 : i32
      %add3A_85 = arith.constant 0 : i32
      %add3A_86 = arith.addi %mul3A_84, %add3A_85 : i32
      %mul3A_87 = arith.constant 5 : i32
      %mul3A_88 = arith.muli %add3A_86, %mul3A_87 : i32
      %add3A_89 = arith.addi %mul3A_2, %mul3A_88 : i32
      %dma_wait3A_90 = arith.constant 0 : i32
      %dma_wait3A_91 = arith.constant 0 : i32
      %dma_wait3A_92 = arith.constant 0 : i32
      %dma_wait3A_93 = arith.constant 0 : i32
      %dma_wait3A_94 = tpu.memref_slice %arg6[%dma_wait3A_90, %dma_wait3A_92, %dma_wait3A_93] : memref<2x5x128xi32, #tpu.memory_space<vmem>> -> memref<1x5x128xi32, #tpu.memory_space<vmem>>
      %dma_wait3A_95 = tpu.memref_squeeze %dma_wait3A_94 : memref<1x5x128xi32, #tpu.memory_space<vmem>> -> memref<5x128xi32, #tpu.memory_space<vmem>>
      %dma_wait3A_96 = arith.constant 0 : i32
      %dma_wait3A_97 = tpu.memref_slice %arg3[%add3A_89, %dma_wait3A_96] : memref<25600x128xi32, #tpu.memory_space<hbm>> -> memref<5x128xi32, #tpu.memory_space<hbm>>
      %dma_wait3A_98 = tpu.memref_slice %arg8[%dma_wait3A_91] : memref<2x!tpu.dma_semaphore, #tpu.memory_space<semaphore_mem>> -> memref<1x!tpu.dma_semaphore, #tpu.memory_space<semaphore_mem>>
      %dma_wait3A_99 = tpu.memref_squeeze %dma_wait3A_98 : memref<1x!tpu.dma_semaphore, #tpu.memory_space<semaphore_mem>> -> memref<!tpu.dma_semaphore, #tpu.memory_space<semaphore_mem>>
      %dma_wait3A_100 = arith.constant 0 : i32
      %dma_wait3A_101 = arith.constant 0 : i32
      %dma_wait3A_102 = tpu.memref_slice %arg6[%dma_wait3A_90, %dma_wait3A_100, %dma_wait3A_101] : memref<2x5x128xi32, #tpu.memory_space<vmem>> -> memref<1x5x128xi32, #tpu.memory_space<vmem>>
      %dma_wait3A_103 = tpu.memref_squeeze %dma_wait3A_102 : memref<1x5x128xi32, #tpu.memory_space<vmem>> -> memref<5x128xi32, #tpu.memory_space<vmem>>
      %dma_wait3A_104 = arith.constant 0 : i32
      %dma_wait3A_105 = tpu.memref_slice %arg3[%add3A_89, %dma_wait3A_104] : memref<25600x128xi32, #tpu.memory_space<hbm>> -> memref<5x128xi32, #tpu.memory_space<hbm>>
      tpu.wait_dma2 semaphore(%dma_wait3A_99 : memref<!tpu.dma_semaphore, #tpu.memory_space<semaphore_mem>>) src(%dma_wait3A_105 : memref<5x128xi32, #tpu.memory_space<hbm>>) dst(%dma_wait3A_103 : memref<5x128xi32, #tpu.memory_space<vmem>>)
      %ge3A = arith.constant 2 : i32
      %ge3A_106 = arith.cmpi sge, %add3A_86, %ge3A : i32
      %convert_element_type3A_107 = arith.extui %ge3A_106 : i1 to i32
      %cond3A_108 = arith.constant 0 : i32
      %cond3A_109 = arith.cmpi ne, %convert_element_type3A_107, %cond3A_108 : i32
      scf.if %cond3A_109 {
        %sub3A = arith.constant 2 : i32
        %sub3A_647 = arith.subi %add3A_86, %sub3A : i32
        %mul3A_648 = arith.constant 640 : i32
        %mul3A_649 = arith.muli %sub3A_647, %mul3A_648 : i32
        %add3A_650 = arith.addi %mul3A_4, %mul3A_649 : i32
        %dma_wait3A_651 = arith.constant 0 : i32
        %dma_wait3A_652 = arith.constant 0 : i32
        %dma_wait3A_653 = arith.constant 0 : i32
        %dma_wait3A_654 = arith.constant 0 : i32
        %dma_wait3A_655 = tpu.memref_slice %arg7[%dma_wait3A_651, %dma_wait3A_653, %dma_wait3A_654] : memref<2x640x64xf32, #tpu.memory_space<vmem>> -> memref<1x640x64xf32, #tpu.memory_space<vmem>>
        %dma_wait3A_656 = tpu.memref_squeeze %dma_wait3A_655 : memref<1x640x64xf32, #tpu.memory_space<vmem>> -> memref<640x64xf32, #tpu.memory_space<vmem>>
        %dma_wait3A_657 = arith.constant 0 : i32
        %dma_wait3A_658 = tpu.memref_slice %arg4[%add3A_650, %dma_wait3A_657] : memref<3276800x64xf32, #tpu.memory_space<hbm>> -> memref<640x64xf32, #tpu.memory_space<hbm>>
        %dma_wait3A_659 = tpu.memref_slice %arg10[%dma_wait3A_652] : memref<2x!tpu.dma_semaphore, #tpu.memory_space<semaphore_mem>> -> memref<1x!tpu.dma_semaphore, #tpu.memory_space<semaphore_mem>>
        %dma_wait3A_660 = tpu.memref_squeeze %dma_wait3A_659 : memref<1x!tpu.dma_semaphore, #tpu.memory_space<semaphore_mem>> -> memref<!tpu.dma_semaphore, #tpu.memory_space<semaphore_mem>>
        %dma_wait3A_661 = arith.constant 0 : i32
        %dma_wait3A_662 = tpu.memref_slice %arg4[%add3A_650, %dma_wait3A_661] : memref<3276800x64xf32, #tpu.memory_space<hbm>> -> memref<640x64xf32, #tpu.memory_space<hbm>>
        %dma_wait3A_663 = arith.constant 0 : i32
        %dma_wait3A_664 = arith.constant 0 : i32
        %dma_wait3A_665 = tpu.memref_slice %arg7[%dma_wait3A_651, %dma_wait3A_663, %dma_wait3A_664] : memref<2x640x64xf32, #tpu.memory_space<vmem>> -> memref<1x640x64xf32, #tpu.memory_space<vmem>>
        %dma_wait3A_666 = tpu.memref_squeeze %dma_wait3A_665 : memref<1x640x64xf32, #tpu.memory_space<vmem>> -> memref<640x64xf32, #tpu.memory_space<vmem>>
        tpu.wait_dma2 semaphore(%dma_wait3A_660 : memref<!tpu.dma_semaphore, #tpu.memory_space<semaphore_mem>>) src(%dma_wait3A_666 : memref<640x64xf32, #tpu.memory_space<vmem>>) dst(%dma_wait3A_662 : memref<640x64xf32, #tpu.memory_space<hbm>>)
      } else {
      }
      %dma_start3A_110 = arith.constant 0 : i32
      %dma_start3A_111 = arith.constant 0 : i32
      %dma_start3A_112 = arith.constant 0 : i32
      %dma_start3A_113 = arith.constant 0 : i32
      %dma_start3A_114 = arith.constant 0 : i32
      %dma_start3A_115 = arith.constant 0 : i32
      %dma_start3A_116 = tpu.memref_slice %arg7[%dma_start3A_112, %dma_start3A_114, %dma_start3A_115] : memref<2x640x64xf32, #tpu.memory_space<vmem>> -> memref<1x640x64xf32, #tpu.memory_space<vmem>>
      %dma_start3A_117 = tpu.memref_squeeze %dma_start3A_116 : memref<1x640x64xf32, #tpu.memory_space<vmem>> -> memref<640x64xf32, #tpu.memory_space<vmem>>
      %dma_start3A_118 = arith.constant 0 : i32
      %dma_start3A_119 = arith.constant 0 : i32
      %dma_start3A_120 = tpu.memref_slice %dma_start3A_117[%dma_start3A_118, %dma_start3A_119] : memref<640x64xf32, #tpu.memory_space<vmem>> -> memref<128x64xf32, #tpu.memory_space<vmem>>
      %dma_start3A_121 = arith.constant 0 : i32
      %dma_start3A_122 = arith.constant 0 : i32
      %dma_start3A_123 = tpu.memref_slice %arg6[%dma_start3A_110, %dma_start3A_121, %dma_start3A_122] : memref<2x5x128xi32, #tpu.memory_space<vmem>> -> memref<1x5x128xi32, #tpu.memory_space<vmem>>
      %dma_start3A_124 = tpu.memref_squeeze %dma_start3A_123 : memref<1x5x128xi32, #tpu.memory_space<vmem>> -> memref<5x128xi32, #tpu.memory_space<vmem>>
      %dma_start3A_125 = arith.constant 0 : i32
      %dma_start3A_126 = tpu.memref_slice %dma_start3A_124[%dma_start3A_111, %dma_start3A_125] : memref<5x128xi32, #tpu.memory_space<vmem>> -> memref<1x128xi32, #tpu.memory_space<vmem>>
      %dma_start3A_127 = tpu.memref_squeeze %dma_start3A_126 : memref<1x128xi32, #tpu.memory_space<vmem>> -> memref<128xi32, #tpu.memory_space<vmem>>
      %dma_start3A_128 = arith.constant 0 : i32
      %dma_start3A_129 = arith.constant 0 : i32
      %dma_start3A_130 = tpu.memref_slice %arg5[%dma_start3A_128, %dma_start3A_129] : memref<48x64xf32, #tpu.memory_space<vmem_shared>> -> memref<48x64xf32, #tpu.memory_space<vmem_shared>>
      %dma_start3A_131 = tpu.memref_slice %arg9[%dma_start3A_113] : memref<2x!tpu.dma_semaphore, #tpu.memory_space<semaphore_mem>> -> memref<1x!tpu.dma_semaphore, #tpu.memory_space<semaphore_mem>>
      %dma_start3A_132 = tpu.memref_squeeze %dma_start3A_131 : memref<1x!tpu.dma_semaphore, #tpu.memory_space<semaphore_mem>> -> memref<!tpu.dma_semaphore, #tpu.memory_space<semaphore_mem>>
      tpu.enqueue_indirect_dma source(%dma_start3A_130 : memref<48x64xf32, #tpu.memory_space<vmem_shared>>) target(%dma_start3A_120 : memref<128x64xf32, #tpu.memory_space<vmem>>) offsets(%dma_start3A_127 : memref<128xi32, #tpu.memory_space<vmem>>) semaphore(%dma_start3A_132 : memref<!tpu.dma_semaphore, #tpu.memory_space<semaphore_mem>>)
      %dma_start3A_133 = arith.constant 0 : i32
      %dma_start3A_134 = arith.constant 1 : i32
      %dma_start3A_135 = arith.constant 0 : i32
      %dma_start3A_136 = arith.constant 0 : i32
      %dma_start3A_137 = arith.constant 0 : i32
      %dma_start3A_138 = arith.constant 0 : i32
      %dma_start3A_139 = tpu.memref_slice %arg7[%dma_start3A_135, %dma_start3A_137, %dma_start3A_138] : memref<2x640x64xf32, #tpu.memory_space<vmem>> -> memref<1x640x64xf32, #tpu.memory_space<vmem>>
      %dma_start3A_140 = tpu.memref_squeeze %dma_start3A_139 : memref<1x640x64xf32, #tpu.memory_space<vmem>> -> memref<640x64xf32, #tpu.memory_space<vmem>>
      %dma_start3A_141 = arith.constant 128 : i32
      %dma_start3A_142 = arith.constant 0 : i32
      %dma_start3A_143 = tpu.memref_slice %dma_start3A_140[%dma_start3A_141, %dma_start3A_142] : memref<640x64xf32, #tpu.memory_space<vmem>> -> memref<128x64xf32, #tpu.memory_space<vmem>>
      %dma_start3A_144 = arith.constant 0 : i32
      %dma_start3A_145 = arith.constant 0 : i32
      %dma_start3A_146 = tpu.memref_slice %arg6[%dma_start3A_133, %dma_start3A_144, %dma_start3A_145] : memref<2x5x128xi32, #tpu.memory_space<vmem>> -> memref<1x5x128xi32, #tpu.memory_space<vmem>>
      %dma_start3A_147 = tpu.memref_squeeze %dma_start3A_146 : memref<1x5x128xi32, #tpu.memory_space<vmem>> -> memref<5x128xi32, #tpu.memory_space<vmem>>
      %dma_start3A_148 = arith.constant 0 : i32
      %dma_start3A_149 = tpu.memref_slice %dma_start3A_147[%dma_start3A_134, %dma_start3A_148] : memref<5x128xi32, #tpu.memory_space<vmem>> -> memref<1x128xi32, #tpu.memory_space<vmem>>
      %dma_start3A_150 = tpu.memref_squeeze %dma_start3A_149 : memref<1x128xi32, #tpu.memory_space<vmem>> -> memref<128xi32, #tpu.memory_space<vmem>>
      %dma_start3A_151 = arith.constant 0 : i32
      %dma_start3A_152 = arith.constant 0 : i32
      %dma_start3A_153 = tpu.memref_slice %arg5[%dma_start3A_151, %dma_start3A_152] : memref<48x64xf32, #tpu.memory_space<vmem_shared>> -> memref<48x64xf32, #tpu.memory_space<vmem_shared>>
      %dma_start3A_154 = tpu.memref_slice %arg9[%dma_start3A_136] : memref<2x!tpu.dma_semaphore, #tpu.memory_space<semaphore_mem>> -> memref<1x!tpu.dma_semaphore, #tpu.memory_space<semaphore_mem>>
      %dma_start3A_155 = tpu.memref_squeeze %dma_start3A_154 : memref<1x!tpu.dma_semaphore, #tpu.memory_space<semaphore_mem>> -> memref<!tpu.dma_semaphore, #tpu.memory_space<semaphore_mem>>
      tpu.enqueue_indirect_dma source(%dma_start3A_153 : memref<48x64xf32, #tpu.memory_space<vmem_shared>>) target(%dma_start3A_143 : memref<128x64xf32, #tpu.memory_space<vmem>>) offsets(%dma_start3A_150 : memref<128xi32, #tpu.memory_space<vmem>>) semaphore(%dma_start3A_155 : memref<!tpu.dma_semaphore, #tpu.memory_space<semaphore_mem>>)
      %dma_start3A_156 = arith.constant 0 : i32
      %dma_start3A_157 = arith.constant 2 : i32
      %dma_start3A_158 = arith.constant 0 : i32
      %dma_start3A_159 = arith.constant 0 : i32
      %dma_start3A_160 = arith.constant 0 : i32
      %dma_start3A_161 = arith.constant 0 : i32
      %dma_start3A_162 = tpu.memref_slice %arg7[%dma_start3A_158, %dma_start3A_160, %dma_start3A_161] : memref<2x640x64xf32, #tpu.memory_space<vmem>> -> memref<1x640x64xf32, #tpu.memory_space<vmem>>
      %dma_start3A_163 = tpu.memref_squeeze %dma_start3A_162 : memref<1x640x64xf32, #tpu.memory_space<vmem>> -> memref<640x64xf32, #tpu.memory_space<vmem>>
      %dma_start3A_164 = arith.constant 256 : i32
      %dma_start3A_165 = arith.constant 0 : i32
      %dma_start3A_166 = tpu.memref_slice %dma_start3A_163[%dma_start3A_164, %dma_start3A_165] : memref<640x64xf32, #tpu.memory_space<vmem>> -> memref<128x64xf32, #tpu.memory_space<vmem>>
      %dma_start3A_167 = arith.constant 0 : i32
      %dma_start3A_168 = arith.constant 0 : i32
      %dma_start3A_169 = tpu.memref_slice %arg6[%dma_start3A_156, %dma_start3A_167, %dma_start3A_168] : memref<2x5x128xi32, #tpu.memory_space<vmem>> -> memref<1x5x128xi32, #tpu.memory_space<vmem>>
      %dma_start3A_170 = tpu.memref_squeeze %dma_start3A_169 : memref<1x5x128xi32, #tpu.memory_space<vmem>> -> memref<5x128xi32, #tpu.memory_space<vmem>>
      %dma_start3A_171 = arith.constant 0 : i32
      %dma_start3A_172 = tpu.memref_slice %dma_start3A_170[%dma_start3A_157, %dma_start3A_171] : memref<5x128xi32, #tpu.memory_space<vmem>> -> memref<1x128xi32, #tpu.memory_space<vmem>>
      %dma_start3A_173 = tpu.memref_squeeze %dma_start3A_172 : memref<1x128xi32, #tpu.memory_space<vmem>> -> memref<128xi32, #tpu.memory_space<vmem>>
      %dma_start3A_174 = arith.constant 0 : i32
      %dma_start3A_175 = arith.constant 0 : i32
      %dma_start3A_176 = tpu.memref_slice %arg5[%dma_start3A_174, %dma_start3A_175] : memref<48x64xf32, #tpu.memory_space<vmem_shared>> -> memref<48x64xf32, #tpu.memory_space<vmem_shared>>
      %dma_start3A_177 = tpu.memref_slice %arg9[%dma_start3A_159] : memref<2x!tpu.dma_semaphore, #tpu.memory_space<semaphore_mem>> -> memref<1x!tpu.dma_semaphore, #tpu.memory_space<semaphore_mem>>
      %dma_start3A_178 = tpu.memref_squeeze %dma_start3A_177 : memref<1x!tpu.dma_semaphore, #tpu.memory_space<semaphore_mem>> -> memref<!tpu.dma_semaphore, #tpu.memory_space<semaphore_mem>>
      tpu.enqueue_indirect_dma source(%dma_start3A_176 : memref<48x64xf32, #tpu.memory_space<vmem_shared>>) target(%dma_start3A_166 : memref<128x64xf32, #tpu.memory_space<vmem>>) offsets(%dma_start3A_173 : memref<128xi32, #tpu.memory_space<vmem>>) semaphore(%dma_start3A_178 : memref<!tpu.dma_semaphore, #tpu.memory_space<semaphore_mem>>)
      %dma_start3A_179 = arith.constant 0 : i32
      %dma_start3A_180 = arith.constant 3 : i32
      %dma_start3A_181 = arith.constant 0 : i32
      %dma_start3A_182 = arith.constant 0 : i32
      %dma_start3A_183 = arith.constant 0 : i32
      %dma_start3A_184 = arith.constant 0 : i32
      %dma_start3A_185 = tpu.memref_slice %arg7[%dma_start3A_181, %dma_start3A_183, %dma_start3A_184] : memref<2x640x64xf32, #tpu.memory_space<vmem>> -> memref<1x640x64xf32, #tpu.memory_space<vmem>>
      %dma_start3A_186 = tpu.memref_squeeze %dma_start3A_185 : memref<1x640x64xf32, #tpu.memory_space<vmem>> -> memref<640x64xf32, #tpu.memory_space<vmem>>
      %dma_start3A_187 = arith.constant 384 : i32
      %dma_start3A_188 = arith.constant 0 : i32
      %dma_start3A_189 = tpu.memref_slice %dma_start3A_186[%dma_start3A_187, %dma_start3A_188] : memref<640x64xf32, #tpu.memory_space<vmem>> -> memref<128x64xf32, #tpu.memory_space<vmem>>
      %dma_start3A_190 = arith.constant 0 : i32
      %dma_start3A_191 = arith.constant 0 : i32
      %dma_start3A_192 = tpu.memref_slice %arg6[%dma_start3A_179, %dma_start3A_190, %dma_start3A_191] : memref<2x5x128xi32, #tpu.memory_space<vmem>> -> memref<1x5x128xi32, #tpu.memory_space<vmem>>
      %dma_start3A_193 = tpu.memref_squeeze %dma_start3A_192 : memref<1x5x128xi32, #tpu.memory_space<vmem>> -> memref<5x128xi32, #tpu.memory_space<vmem>>
      %dma_start3A_194 = arith.constant 0 : i32
      %dma_start3A_195 = tpu.memref_slice %dma_start3A_193[%dma_start3A_180, %dma_start3A_194] : memref<5x128xi32, #tpu.memory_space<vmem>> -> memref<1x128xi32, #tpu.memory_space<vmem>>
      %dma_start3A_196 = tpu.memref_squeeze %dma_start3A_195 : memref<1x128xi32, #tpu.memory_space<vmem>> -> memref<128xi32, #tpu.memory_space<vmem>>
      %dma_start3A_197 = arith.constant 0 : i32
      %dma_start3A_198 = arith.constant 0 : i32
      %dma_start3A_199 = tpu.memref_slice %arg5[%dma_start3A_197, %dma_start3A_198] : memref<48x64xf32, #tpu.memory_space<vmem_shared>> -> memref<48x64xf32, #tpu.memory_space<vmem_shared>>
      %dma_start3A_200 = tpu.memref_slice %arg9[%dma_start3A_182] : memref<2x!tpu.dma_semaphore, #tpu.memory_space<semaphore_mem>> -> memref<1x!tpu.dma_semaphore, #tpu.memory_space<semaphore_mem>>
      %dma_start3A_201 = tpu.memref_squeeze %dma_start3A_200 : memref<1x!tpu.dma_semaphore, #tpu.memory_space<semaphore_mem>> -> memref<!tpu.dma_semaphore, #tpu.memory_space<semaphore_mem>>
      tpu.enqueue_indirect_dma source(%dma_start3A_199 : memref<48x64xf32, #tpu.memory_space<vmem_shared>>) target(%dma_start3A_189 : memref<128x64xf32, #tpu.memory_space<vmem>>) offsets(%dma_start3A_196 : memref<128xi32, #tpu.memory_space<vmem>>) semaphore(%dma_start3A_201 : memref<!tpu.dma_semaphore, #tpu.memory_space<semaphore_mem>>)
      %dma_start3A_202 = arith.constant 0 : i32
      %dma_start3A_203 = arith.constant 4 : i32
      %dma_start3A_204 = arith.constant 0 : i32
      %dma_start3A_205 = arith.constant 0 : i32
      %dma_start3A_206 = arith.constant 0 : i32
      %dma_start3A_207 = arith.constant 0 : i32
      %dma_start3A_208 = tpu.memref_slice %arg7[%dma_start3A_204, %dma_start3A_206, %dma_start3A_207] : memref<2x640x64xf32, #tpu.memory_space<vmem>> -> memref<1x640x64xf32, #tpu.memory_space<vmem>>
      %dma_start3A_209 = tpu.memref_squeeze %dma_start3A_208 : memref<1x640x64xf32, #tpu.memory_space<vmem>> -> memref<640x64xf32, #tpu.memory_space<vmem>>
      %dma_start3A_210 = arith.constant 512 : i32
      %dma_start3A_211 = arith.constant 0 : i32
      %dma_start3A_212 = tpu.memref_slice %dma_start3A_209[%dma_start3A_210, %dma_start3A_211] : memref<640x64xf32, #tpu.memory_space<vmem>> -> memref<128x64xf32, #tpu.memory_space<vmem>>
      %dma_start3A_213 = arith.constant 0 : i32
      %dma_start3A_214 = arith.constant 0 : i32
      %dma_start3A_215 = tpu.memref_slice %arg6[%dma_start3A_202, %dma_start3A_213, %dma_start3A_214] : memref<2x5x128xi32, #tpu.memory_space<vmem>> -> memref<1x5x128xi32, #tpu.memory_space<vmem>>
      %dma_start3A_216 = tpu.memref_squeeze %dma_start3A_215 : memref<1x5x128xi32, #tpu.memory_space<vmem>> -> memref<5x128xi32, #tpu.memory_space<vmem>>
      %dma_start3A_217 = arith.constant 0 : i32
      %dma_start3A_218 = tpu.memref_slice %dma_start3A_216[%dma_start3A_203, %dma_start3A_217] : memref<5x128xi32, #tpu.memory_space<vmem>> -> memref<1x128xi32, #tpu.memory_space<vmem>>
      %dma_start3A_219 = tpu.memref_squeeze %dma_start3A_218 : memref<1x128xi32, #tpu.memory_space<vmem>> -> memref<128xi32, #tpu.memory_space<vmem>>
      %dma_start3A_220 = arith.constant 0 : i32
      %dma_start3A_221 = arith.constant 0 : i32
      %dma_start3A_222 = tpu.memref_slice %arg5[%dma_start3A_220, %dma_start3A_221] : memref<48x64xf32, #tpu.memory_space<vmem_shared>> -> memref<48x64xf32, #tpu.memory_space<vmem_shared>>
      %dma_start3A_223 = tpu.memref_slice %arg9[%dma_start3A_205] : memref<2x!tpu.dma_semaphore, #tpu.memory_space<semaphore_mem>> -> memref<1x!tpu.dma_semaphore, #tpu.memory_space<semaphore_mem>>
      %dma_start3A_224 = tpu.memref_squeeze %dma_start3A_223 : memref<1x!tpu.dma_semaphore, #tpu.memory_space<semaphore_mem>> -> memref<!tpu.dma_semaphore, #tpu.memory_space<semaphore_mem>>
      tpu.enqueue_indirect_dma source(%dma_start3A_222 : memref<48x64xf32, #tpu.memory_space<vmem_shared>>) target(%dma_start3A_212 : memref<128x64xf32, #tpu.memory_space<vmem>>) offsets(%dma_start3A_219 : memref<128xi32, #tpu.memory_space<vmem>>) semaphore(%dma_start3A_224 : memref<!tpu.dma_semaphore, #tpu.memory_space<semaphore_mem>>)
      %dma_wait3A_225 = arith.constant 0 : i32
      %dma_wait3A_226 = arith.constant 0 : i32
      %dma_wait3A_227 = arith.constant 0 : i32
      %dma_wait3A_228 = arith.constant 0 : i32
      %dma_wait3A_229 = arith.constant 0 : i32
      %dma_wait3A_230 = arith.constant 0 : i32
      %dma_wait3A_231 = tpu.memref_slice %arg7[%dma_wait3A_227, %dma_wait3A_229, %dma_wait3A_230] : memref<2x640x64xf32, #tpu.memory_space<vmem>> -> memref<1x640x64xf32, #tpu.memory_space<vmem>>
      %dma_wait3A_232 = tpu.memref_squeeze %dma_wait3A_231 : memref<1x640x64xf32, #tpu.memory_space<vmem>> -> memref<640x64xf32, #tpu.memory_space<vmem>>
      %dma_wait3A_233 = arith.constant 0 : i32
      %dma_wait3A_234 = arith.constant 0 : i32
      %dma_wait3A_235 = tpu.memref_slice %dma_wait3A_232[%dma_wait3A_233, %dma_wait3A_234] : memref<640x64xf32, #tpu.memory_space<vmem>> -> memref<128x64xf32, #tpu.memory_space<vmem>>
      %dma_wait3A_236 = arith.constant 0 : i32
      %dma_wait3A_237 = arith.constant 0 : i32
      %dma_wait3A_238 = tpu.memref_slice %arg6[%dma_wait3A_225, %dma_wait3A_236, %dma_wait3A_237] : memref<2x5x128xi32, #tpu.memory_space<vmem>> -> memref<1x5x128xi32, #tpu.memory_space<vmem>>
      %dma_wait3A_239 = tpu.memref_squeeze %dma_wait3A_238 : memref<1x5x128xi32, #tpu.memory_space<vmem>> -> memref<5x128xi32, #tpu.memory_space<vmem>>
      %dma_wait3A_240 = arith.constant 0 : i32
      %dma_wait3A_241 = tpu.memref_slice %dma_wait3A_239[%dma_wait3A_226, %dma_wait3A_240] : memref<5x128xi32, #tpu.memory_space<vmem>> -> memref<1x128xi32, #tpu.memory_space<vmem>>
      %dma_wait3A_242 = tpu.memref_squeeze %dma_wait3A_241 : memref<1x128xi32, #tpu.memory_space<vmem>> -> memref<128xi32, #tpu.memory_space<vmem>>
      %dma_wait3A_243 = arith.constant 0 : i32
      %dma_wait3A_244 = arith.constant 0 : i32
      %dma_wait3A_245 = tpu.memref_slice %arg5[%dma_wait3A_243, %dma_wait3A_244] : memref<48x64xf32, #tpu.memory_space<vmem_shared>> -> memref<48x64xf32, #tpu.memory_space<vmem_shared>>
      %dma_wait3A_246 = tpu.memref_slice %arg9[%dma_wait3A_228] : memref<2x!tpu.dma_semaphore, #tpu.memory_space<semaphore_mem>> -> memref<1x!tpu.dma_semaphore, #tpu.memory_space<semaphore_mem>>
      %dma_wait3A_247 = tpu.memref_squeeze %dma_wait3A_246 : memref<1x!tpu.dma_semaphore, #tpu.memory_space<semaphore_mem>> -> memref<!tpu.dma_semaphore, #tpu.memory_space<semaphore_mem>>
      tpu.wait_indirect_dma semaphore(%dma_wait3A_247 : memref<!tpu.dma_semaphore, #tpu.memory_space<semaphore_mem>>) src(%dma_wait3A_245 : memref<48x64xf32, #tpu.memory_space<vmem_shared>>) dst(%dma_wait3A_235 : memref<128x64xf32, #tpu.memory_space<vmem>>)
      %dma_wait3A_248 = arith.constant 0 : i32
      %dma_wait3A_249 = arith.constant 1 : i32
      %dma_wait3A_250 = arith.constant 0 : i32
      %dma_wait3A_251 = arith.constant 0 : i32
      %dma_wait3A_252 = arith.constant 0 : i32
      %dma_wait3A_253 = arith.constant 0 : i32
      %dma_wait3A_254 = tpu.memref_slice %arg7[%dma_wait3A_250, %dma_wait3A_252, %dma_wait3A_253] : memref<2x640x64xf32, #tpu.memory_space<vmem>> -> memref<1x640x64xf32, #tpu.memory_space<vmem>>
      %dma_wait3A_255 = tpu.memref_squeeze %dma_wait3A_254 : memref<1x640x64xf32, #tpu.memory_space<vmem>> -> memref<640x64xf32, #tpu.memory_space<vmem>>
      %dma_wait3A_256 = arith.constant 128 : i32
      %dma_wait3A_257 = arith.constant 0 : i32
      %dma_wait3A_258 = tpu.memref_slice %dma_wait3A_255[%dma_wait3A_256, %dma_wait3A_257] : memref<640x64xf32, #tpu.memory_space<vmem>> -> memref<128x64xf32, #tpu.memory_space<vmem>>
      %dma_wait3A_259 = arith.constant 0 : i32
      %dma_wait3A_260 = arith.constant 0 : i32
      %dma_wait3A_261 = tpu.memref_slice %arg6[%dma_wait3A_248, %dma_wait3A_259, %dma_wait3A_260] : memref<2x5x128xi32, #tpu.memory_space<vmem>> -> memref<1x5x128xi32, #tpu.memory_space<vmem>>
      %dma_wait3A_262 = tpu.memref_squeeze %dma_wait3A_261 : memref<1x5x128xi32, #tpu.memory_space<vmem>> -> memref<5x128xi32, #tpu.memory_space<vmem>>
      %dma_wait3A_263 = arith.constant 0 : i32
      %dma_wait3A_264 = tpu.memref_slice %dma_wait3A_262[%dma_wait3A_249, %dma_wait3A_263] : memref<5x128xi32, #tpu.memory_space<vmem>> -> memref<1x128xi32, #tpu.memory_space<vmem>>
      %dma_wait3A_265 = tpu.memref_squeeze %dma_wait3A_264 : memref<1x128xi32, #tpu.memory_space<vmem>> -> memref<128xi32, #tpu.memory_space<vmem>>
      %dma_wait3A_266 = arith.constant 0 : i32
      %dma_wait3A_267 = arith.constant 0 : i32
      %dma_wait3A_268 = tpu.memref_slice %arg5[%dma_wait3A_266, %dma_wait3A_267] : memref<48x64xf32, #tpu.memory_space<vmem_shared>> -> memref<48x64xf32, #tpu.memory_space<vmem_shared>>
      %dma_wait3A_269 = tpu.memref_slice %arg9[%dma_wait3A_251] : memref<2x!tpu.dma_semaphore, #tpu.memory_space<semaphore_mem>> -> memref<1x!tpu.dma_semaphore, #tpu.memory_space<semaphore_mem>>
      %dma_wait3A_270 = tpu.memref_squeeze %dma_wait3A_269 : memref<1x!tpu.dma_semaphore, #tpu.memory_space<semaphore_mem>> -> memref<!tpu.dma_semaphore, #tpu.memory_space<semaphore_mem>>
      tpu.wait_indirect_dma semaphore(%dma_wait3A_270 : memref<!tpu.dma_semaphore, #tpu.memory_space<semaphore_mem>>) src(%dma_wait3A_268 : memref<48x64xf32, #tpu.memory_space<vmem_shared>>) dst(%dma_wait3A_258 : memref<128x64xf32, #tpu.memory_space<vmem>>)
      %dma_wait3A_271 = arith.constant 0 : i32
      %dma_wait3A_272 = arith.constant 2 : i32
      %dma_wait3A_273 = arith.constant 0 : i32
      %dma_wait3A_274 = arith.constant 0 : i32
      %dma_wait3A_275 = arith.constant 0 : i32
      %dma_wait3A_276 = arith.constant 0 : i32
      %dma_wait3A_277 = tpu.memref_slice %arg7[%dma_wait3A_273, %dma_wait3A_275, %dma_wait3A_276] : memref<2x640x64xf32, #tpu.memory_space<vmem>> -> memref<1x640x64xf32, #tpu.memory_space<vmem>>
      %dma_wait3A_278 = tpu.memref_squeeze %dma_wait3A_277 : memref<1x640x64xf32, #tpu.memory_space<vmem>> -> memref<640x64xf32, #tpu.memory_space<vmem>>
      %dma_wait3A_279 = arith.constant 256 : i32
      %dma_wait3A_280 = arith.constant 0 : i32
      %dma_wait3A_281 = tpu.memref_slice %dma_wait3A_278[%dma_wait3A_279, %dma_wait3A_280] : memref<640x64xf32, #tpu.memory_space<vmem>> -> memref<128x64xf32, #tpu.memory_space<vmem>>
      %dma_wait3A_282 = arith.constant 0 : i32
      %dma_wait3A_283 = arith.constant 0 : i32
      %dma_wait3A_284 = tpu.memref_slice %arg6[%dma_wait3A_271, %dma_wait3A_282, %dma_wait3A_283] : memref<2x5x128xi32, #tpu.memory_space<vmem>> -> memref<1x5x128xi32, #tpu.memory_space<vmem>>
      %dma_wait3A_285 = tpu.memref_squeeze %dma_wait3A_284 : memref<1x5x128xi32, #tpu.memory_space<vmem>> -> memref<5x128xi32, #tpu.memory_space<vmem>>
      %dma_wait3A_286 = arith.constant 0 : i32
      %dma_wait3A_287 = tpu.memref_slice %dma_wait3A_285[%dma_wait3A_272, %dma_wait3A_286] : memref<5x128xi32, #tpu.memory_space<vmem>> -> memref<1x128xi32, #tpu.memory_space<vmem>>
      %dma_wait3A_288 = tpu.memref_squeeze %dma_wait3A_287 : memref<1x128xi32, #tpu.memory_space<vmem>> -> memref<128xi32, #tpu.memory_space<vmem>>
      %dma_wait3A_289 = arith.constant 0 : i32
      %dma_wait3A_290 = arith.constant 0 : i32
      %dma_wait3A_291 = tpu.memref_slice %arg5[%dma_wait3A_289, %dma_wait3A_290] : memref<48x64xf32, #tpu.memory_space<vmem_shared>> -> memref<48x64xf32, #tpu.memory_space<vmem_shared>>
      %dma_wait3A_292 = tpu.memref_slice %arg9[%dma_wait3A_274] : memref<2x!tpu.dma_semaphore, #tpu.memory_space<semaphore_mem>> -> memref<1x!tpu.dma_semaphore, #tpu.memory_space<semaphore_mem>>
      %dma_wait3A_293 = tpu.memref_squeeze %dma_wait3A_292 : memref<1x!tpu.dma_semaphore, #tpu.memory_space<semaphore_mem>> -> memref<!tpu.dma_semaphore, #tpu.memory_space<semaphore_mem>>
      tpu.wait_indirect_dma semaphore(%dma_wait3A_293 : memref<!tpu.dma_semaphore, #tpu.memory_space<semaphore_mem>>) src(%dma_wait3A_291 : memref<48x64xf32, #tpu.memory_space<vmem_shared>>) dst(%dma_wait3A_281 : memref<128x64xf32, #tpu.memory_space<vmem>>)
      %dma_wait3A_294 = arith.constant 0 : i32
      %dma_wait3A_295 = arith.constant 3 : i32
      %dma_wait3A_296 = arith.constant 0 : i32
      %dma_wait3A_297 = arith.constant 0 : i32
      %dma_wait3A_298 = arith.constant 0 : i32
      %dma_wait3A_299 = arith.constant 0 : i32
      %dma_wait3A_300 = tpu.memref_slice %arg7[%dma_wait3A_296, %dma_wait3A_298, %dma_wait3A_299] : memref<2x640x64xf32, #tpu.memory_space<vmem>> -> memref<1x640x64xf32, #tpu.memory_space<vmem>>
      %dma_wait3A_301 = tpu.memref_squeeze %dma_wait3A_300 : memref<1x640x64xf32, #tpu.memory_space<vmem>> -> memref<640x64xf32, #tpu.memory_space<vmem>>
      %dma_wait3A_302 = arith.constant 384 : i32
      %dma_wait3A_303 = arith.constant 0 : i32
      %dma_wait3A_304 = tpu.memref_slice %dma_wait3A_301[%dma_wait3A_302, %dma_wait3A_303] : memref<640x64xf32, #tpu.memory_space<vmem>> -> memref<128x64xf32, #tpu.memory_space<vmem>>
      %dma_wait3A_305 = arith.constant 0 : i32
      %dma_wait3A_306 = arith.constant 0 : i32
      %dma_wait3A_307 = tpu.memref_slice %arg6[%dma_wait3A_294, %dma_wait3A_305, %dma_wait3A_306] : memref<2x5x128xi32, #tpu.memory_space<vmem>> -> memref<1x5x128xi32, #tpu.memory_space<vmem>>
      %dma_wait3A_308 = tpu.memref_squeeze %dma_wait3A_307 : memref<1x5x128xi32, #tpu.memory_space<vmem>> -> memref<5x128xi32, #tpu.memory_space<vmem>>
      %dma_wait3A_309 = arith.constant 0 : i32
      %dma_wait3A_310 = tpu.memref_slice %dma_wait3A_308[%dma_wait3A_295, %dma_wait3A_309] : memref<5x128xi32, #tpu.memory_space<vmem>> -> memref<1x128xi32, #tpu.memory_space<vmem>>
      %dma_wait3A_311 = tpu.memref_squeeze %dma_wait3A_310 : memref<1x128xi32, #tpu.memory_space<vmem>> -> memref<128xi32, #tpu.memory_space<vmem>>
      %dma_wait3A_312 = arith.constant 0 : i32
      %dma_wait3A_313 = arith.constant 0 : i32
      %dma_wait3A_314 = tpu.memref_slice %arg5[%dma_wait3A_312, %dma_wait3A_313] : memref<48x64xf32, #tpu.memory_space<vmem_shared>> -> memref<48x64xf32, #tpu.memory_space<vmem_shared>>
      %dma_wait3A_315 = tpu.memref_slice %arg9[%dma_wait3A_297] : memref<2x!tpu.dma_semaphore, #tpu.memory_space<semaphore_mem>> -> memref<1x!tpu.dma_semaphore, #tpu.memory_space<semaphore_mem>>
      %dma_wait3A_316 = tpu.memref_squeeze %dma_wait3A_315 : memref<1x!tpu.dma_semaphore, #tpu.memory_space<semaphore_mem>> -> memref<!tpu.dma_semaphore, #tpu.memory_space<semaphore_mem>>
      tpu.wait_indirect_dma semaphore(%dma_wait3A_316 : memref<!tpu.dma_semaphore, #tpu.memory_space<semaphore_mem>>) src(%dma_wait3A_314 : memref<48x64xf32, #tpu.memory_space<vmem_shared>>) dst(%dma_wait3A_304 : memref<128x64xf32, #tpu.memory_space<vmem>>)
      %dma_wait3A_317 = arith.constant 0 : i32
      %dma_wait3A_318 = arith.constant 4 : i32
      %dma_wait3A_319 = arith.constant 0 : i32
      %dma_wait3A_320 = arith.constant 0 : i32
      %dma_wait3A_321 = arith.constant 0 : i32
      %dma_wait3A_322 = arith.constant 0 : i32
      %dma_wait3A_323 = tpu.memref_slice %arg7[%dma_wait3A_319, %dma_wait3A_321, %dma_wait3A_322] : memref<2x640x64xf32, #tpu.memory_space<vmem>> -> memref<1x640x64xf32, #tpu.memory_space<vmem>>
      %dma_wait3A_324 = tpu.memref_squeeze %dma_wait3A_323 : memref<1x640x64xf32, #tpu.memory_space<vmem>> -> memref<640x64xf32, #tpu.memory_space<vmem>>
      %dma_wait3A_325 = arith.constant 512 : i32
      %dma_wait3A_326 = arith.constant 0 : i32
      %dma_wait3A_327 = tpu.memref_slice %dma_wait3A_324[%dma_wait3A_325, %dma_wait3A_326] : memref<640x64xf32, #tpu.memory_space<vmem>> -> memref<128x64xf32, #tpu.memory_space<vmem>>
      %dma_wait3A_328 = arith.constant 0 : i32
      %dma_wait3A_329 = arith.constant 0 : i32
      %dma_wait3A_330 = tpu.memref_slice %arg6[%dma_wait3A_317, %dma_wait3A_328, %dma_wait3A_329] : memref<2x5x128xi32, #tpu.memory_space<vmem>> -> memref<1x5x128xi32, #tpu.memory_space<vmem>>
      %dma_wait3A_331 = tpu.memref_squeeze %dma_wait3A_330 : memref<1x5x128xi32, #tpu.memory_space<vmem>> -> memref<5x128xi32, #tpu.memory_space<vmem>>
      %dma_wait3A_332 = arith.constant 0 : i32
      %dma_wait3A_333 = tpu.memref_slice %dma_wait3A_331[%dma_wait3A_318, %dma_wait3A_332] : memref<5x128xi32, #tpu.memory_space<vmem>> -> memref<1x128xi32, #tpu.memory_space<vmem>>
      %dma_wait3A_334 = tpu.memref_squeeze %dma_wait3A_333 : memref<1x128xi32, #tpu.memory_space<vmem>> -> memref<128xi32, #tpu.memory_space<vmem>>
      %dma_wait3A_335 = arith.constant 0 : i32
      %dma_wait3A_336 = arith.constant 0 : i32
      %dma_wait3A_337 = tpu.memref_slice %arg5[%dma_wait3A_335, %dma_wait3A_336] : memref<48x64xf32, #tpu.memory_space<vmem_shared>> -> memref<48x64xf32, #tpu.memory_space<vmem_shared>>
      %dma_wait3A_338 = tpu.memref_slice %arg9[%dma_wait3A_320] : memref<2x!tpu.dma_semaphore, #tpu.memory_space<semaphore_mem>> -> memref<1x!tpu.dma_semaphore, #tpu.memory_space<semaphore_mem>>
      %dma_wait3A_339 = tpu.memref_squeeze %dma_wait3A_338 : memref<1x!tpu.dma_semaphore, #tpu.memory_space<semaphore_mem>> -> memref<!tpu.dma_semaphore, #tpu.memory_space<semaphore_mem>>
      tpu.wait_indirect_dma semaphore(%dma_wait3A_339 : memref<!tpu.dma_semaphore, #tpu.memory_space<semaphore_mem>>) src(%dma_wait3A_337 : memref<48x64xf32, #tpu.memory_space<vmem_shared>>) dst(%dma_wait3A_327 : memref<128x64xf32, #tpu.memory_space<vmem>>)
      %add3A_340 = arith.constant 2 : i32
      %add3A_341 = arith.addi %add3A_86, %add3A_340 : i32
      %lt3A = arith.constant 160 : i32
      %lt3A_342 = arith.cmpi slt, %add3A_341, %lt3A : i32
      %convert_element_type3A_343 = arith.extui %lt3A_342 : i1 to i32
      %cond3A_344 = arith.constant 0 : i32
      %cond3A_345 = arith.cmpi ne, %convert_element_type3A_343, %cond3A_344 : i32
      scf.if %cond3A_345 {
        %add3A_647 = arith.constant 2 : i32
        %add3A_648 = arith.addi %add3A_86, %add3A_647 : i32
        %mul3A_649 = arith.constant 5 : i32
        %mul3A_650 = arith.muli %add3A_648, %mul3A_649 : i32
        %add3A_651 = arith.addi %mul3A_2, %mul3A_650 : i32
        %dma_start3A_652 = arith.constant 0 : i32
        %dma_start3A_653 = arith.constant 0 : i32
        %dma_start3A_654 = arith.constant 0 : i32
        %dma_start3A_655 = arith.constant 0 : i32
        %dma_start3A_656 = tpu.memref_slice %arg6[%dma_start3A_652, %dma_start3A_654, %dma_start3A_655] : memref<2x5x128xi32, #tpu.memory_space<vmem>> -> memref<1x5x128xi32, #tpu.memory_space<vmem>>
        %dma_start3A_657 = tpu.memref_squeeze %dma_start3A_656 : memref<1x5x128xi32, #tpu.memory_space<vmem>> -> memref<5x128xi32, #tpu.memory_space<vmem>>
        %dma_start3A_658 = arith.constant 0 : i32
        %dma_start3A_659 = tpu.memref_slice %arg3[%add3A_651, %dma_start3A_658] : memref<25600x128xi32, #tpu.memory_space<hbm>> -> memref<5x128xi32, #tpu.memory_space<hbm>>
        %dma_start3A_660 = tpu.memref_slice %arg8[%dma_start3A_653] : memref<2x!tpu.dma_semaphore, #tpu.memory_space<semaphore_mem>> -> memref<1x!tpu.dma_semaphore, #tpu.memory_space<semaphore_mem>>
        %dma_start3A_661 = tpu.memref_squeeze %dma_start3A_660 : memref<1x!tpu.dma_semaphore, #tpu.memory_space<semaphore_mem>> -> memref<!tpu.dma_semaphore, #tpu.memory_space<semaphore_mem>>
        %dma_start3A_662 = arith.constant 0 : i32
        %dma_start3A_663 = arith.constant 0 : i32
        %dma_start3A_664 = tpu.memref_slice %arg6[%dma_start3A_652, %dma_start3A_662, %dma_start3A_663] : memref<2x5x128xi32, #tpu.memory_space<vmem>> -> memref<1x5x128xi32, #tpu.memory_space<vmem>>
        %dma_start3A_665 = tpu.memref_squeeze %dma_start3A_664 : memref<1x5x128xi32, #tpu.memory_space<vmem>> -> memref<5x128xi32, #tpu.memory_space<vmem>>
        %dma_start3A_666 = arith.constant 0 : i32
        %dma_start3A_667 = tpu.memref_slice %arg3[%add3A_651, %dma_start3A_666] : memref<25600x128xi32, #tpu.memory_space<hbm>> -> memref<5x128xi32, #tpu.memory_space<hbm>>
        tpu.enqueue_dma source(%dma_start3A_667 : memref<5x128xi32, #tpu.memory_space<hbm>>) target(%dma_start3A_665 : memref<5x128xi32, #tpu.memory_space<vmem>>) target_semaphore(%dma_start3A_661 : memref<!tpu.dma_semaphore, #tpu.memory_space<semaphore_mem>>)
      } else {
      }
      %mul3A_346 = arith.constant 640 : i32
      %mul3A_347 = arith.muli %add3A_86, %mul3A_346 : i32
      %add3A_348 = arith.addi %mul3A_4, %mul3A_347 : i32
      %dma_start3A_349 = arith.constant 0 : i32
      %dma_start3A_350 = arith.constant 0 : i32
      %dma_start3A_351 = arith.constant 0 : i32
      %dma_start3A_352 = arith.constant 0 : i32
      %dma_start3A_353 = tpu.memref_slice %arg7[%dma_start3A_349, %dma_start3A_351, %dma_start3A_352] : memref<2x640x64xf32, #tpu.memory_space<vmem>> -> memref<1x640x64xf32, #tpu.memory_space<vmem>>
      %dma_start3A_354 = tpu.memref_squeeze %dma_start3A_353 : memref<1x640x64xf32, #tpu.memory_space<vmem>> -> memref<640x64xf32, #tpu.memory_space<vmem>>
      %dma_start3A_355 = arith.constant 0 : i32
      %dma_start3A_356 = tpu.memref_slice %arg4[%add3A_348, %dma_start3A_355] : memref<3276800x64xf32, #tpu.memory_space<hbm>> -> memref<640x64xf32, #tpu.memory_space<hbm>>
      %dma_start3A_357 = tpu.memref_slice %arg10[%dma_start3A_350] : memref<2x!tpu.dma_semaphore, #tpu.memory_space<semaphore_mem>> -> memref<1x!tpu.dma_semaphore, #tpu.memory_space<semaphore_mem>>
      %dma_start3A_358 = tpu.memref_squeeze %dma_start3A_357 : memref<1x!tpu.dma_semaphore, #tpu.memory_space<semaphore_mem>> -> memref<!tpu.dma_semaphore, #tpu.memory_space<semaphore_mem>>
      %dma_start3A_359 = arith.constant 0 : i32
      %dma_start3A_360 = tpu.memref_slice %arg4[%add3A_348, %dma_start3A_359] : memref<3276800x64xf32, #tpu.memory_space<hbm>> -> memref<640x64xf32, #tpu.memory_space<hbm>>
      %dma_start3A_361 = arith.constant 0 : i32
      %dma_start3A_362 = arith.constant 0 : i32
      %dma_start3A_363 = tpu.memref_slice %arg7[%dma_start3A_349, %dma_start3A_361, %dma_start3A_362] : memref<2x640x64xf32, #tpu.memory_space<vmem>> -> memref<1x640x64xf32, #tpu.memory_space<vmem>>
      %dma_start3A_364 = tpu.memref_squeeze %dma_start3A_363 : memref<1x640x64xf32, #tpu.memory_space<vmem>> -> memref<640x64xf32, #tpu.memory_space<vmem>>
      tpu.enqueue_dma source(%dma_start3A_364 : memref<640x64xf32, #tpu.memory_space<vmem>>) target(%dma_start3A_360 : memref<640x64xf32, #tpu.memory_space<hbm>>) target_semaphore(%dma_start3A_358 : memref<!tpu.dma_semaphore, #tpu.memory_space<semaphore_mem>>)
      %add3A_365 = arith.constant 1 : i32
      %add3A_366 = arith.addi %mul3A_84, %add3A_365 : i32
      %mul3A_367 = arith.constant 5 : i32
      %mul3A_368 = arith.muli %add3A_366, %mul3A_367 : i32
      %add3A_369 = arith.addi %mul3A_2, %mul3A_368 : i32
      %dma_wait3A_370 = arith.constant 1 : i32
      %dma_wait3A_371 = arith.constant 1 : i32
      %dma_wait3A_372 = arith.constant 0 : i32
      %dma_wait3A_373 = arith.constant 0 : i32
      %dma_wait3A_374 = tpu.memref_slice %arg6[%dma_wait3A_370, %dma_wait3A_372, %dma_wait3A_373] : memref<2x5x128xi32, #tpu.memory_space<vmem>> -> memref<1x5x128xi32, #tpu.memory_space<vmem>>
      %dma_wait3A_375 = tpu.memref_squeeze %dma_wait3A_374 : memref<1x5x128xi32, #tpu.memory_space<vmem>> -> memref<5x128xi32, #tpu.memory_space<vmem>>
      %dma_wait3A_376 = arith.constant 0 : i32
      %dma_wait3A_377 = tpu.memref_slice %arg3[%add3A_369, %dma_wait3A_376] : memref<25600x128xi32, #tpu.memory_space<hbm>> -> memref<5x128xi32, #tpu.memory_space<hbm>>
      %dma_wait3A_378 = tpu.memref_slice %arg8[%dma_wait3A_371] : memref<2x!tpu.dma_semaphore, #tpu.memory_space<semaphore_mem>> -> memref<1x!tpu.dma_semaphore, #tpu.memory_space<semaphore_mem>>
      %dma_wait3A_379 = tpu.memref_squeeze %dma_wait3A_378 : memref<1x!tpu.dma_semaphore, #tpu.memory_space<semaphore_mem>> -> memref<!tpu.dma_semaphore, #tpu.memory_space<semaphore_mem>>
      %dma_wait3A_380 = arith.constant 0 : i32
      %dma_wait3A_381 = arith.constant 0 : i32
      %dma_wait3A_382 = tpu.memref_slice %arg6[%dma_wait3A_370, %dma_wait3A_380, %dma_wait3A_381] : memref<2x5x128xi32, #tpu.memory_space<vmem>> -> memref<1x5x128xi32, #tpu.memory_space<vmem>>
      %dma_wait3A_383 = tpu.memref_squeeze %dma_wait3A_382 : memref<1x5x128xi32, #tpu.memory_space<vmem>> -> memref<5x128xi32, #tpu.memory_space<vmem>>
      %dma_wait3A_384 = arith.constant 0 : i32
      %dma_wait3A_385 = tpu.memref_slice %arg3[%add3A_369, %dma_wait3A_384] : memref<25600x128xi32, #tpu.memory_space<hbm>> -> memref<5x128xi32, #tpu.memory_space<hbm>>
      tpu.wait_dma2 semaphore(%dma_wait3A_379 : memref<!tpu.dma_semaphore, #tpu.memory_space<semaphore_mem>>) src(%dma_wait3A_385 : memref<5x128xi32, #tpu.memory_space<hbm>>) dst(%dma_wait3A_383 : memref<5x128xi32, #tpu.memory_space<vmem>>)
      %ge3A_386 = arith.constant 2 : i32
      %ge3A_387 = arith.cmpi sge, %add3A_366, %ge3A_386 : i32
      %convert_element_type3A_388 = arith.extui %ge3A_387 : i1 to i32
      %cond3A_389 = arith.constant 0 : i32
      %cond3A_390 = arith.cmpi ne, %convert_element_type3A_388, %cond3A_389 : i32
      scf.if %cond3A_390 {
        %sub3A = arith.constant 2 : i32
        %sub3A_647 = arith.subi %add3A_366, %sub3A : i32
        %mul3A_648 = arith.constant 640 : i32
        %mul3A_649 = arith.muli %sub3A_647, %mul3A_648 : i32
        %add3A_650 = arith.addi %mul3A_4, %mul3A_649 : i32
        %dma_wait3A_651 = arith.constant 1 : i32
        %dma_wait3A_652 = arith.constant 1 : i32
        %dma_wait3A_653 = arith.constant 0 : i32
        %dma_wait3A_654 = arith.constant 0 : i32
        %dma_wait3A_655 = tpu.memref_slice %arg7[%dma_wait3A_651, %dma_wait3A_653, %dma_wait3A_654] : memref<2x640x64xf32, #tpu.memory_space<vmem>> -> memref<1x640x64xf32, #tpu.memory_space<vmem>>
        %dma_wait3A_656 = tpu.memref_squeeze %dma_wait3A_655 : memref<1x640x64xf32, #tpu.memory_space<vmem>> -> memref<640x64xf32, #tpu.memory_space<vmem>>
        %dma_wait3A_657 = arith.constant 0 : i32
        %dma_wait3A_658 = tpu.memref_slice %arg4[%add3A_650, %dma_wait3A_657] : memref<3276800x64xf32, #tpu.memory_space<hbm>> -> memref<640x64xf32, #tpu.memory_space<hbm>>
        %dma_wait3A_659 = tpu.memref_slice %arg10[%dma_wait3A_652] : memref<2x!tpu.dma_semaphore, #tpu.memory_space<semaphore_mem>> -> memref<1x!tpu.dma_semaphore, #tpu.memory_space<semaphore_mem>>
        %dma_wait3A_660 = tpu.memref_squeeze %dma_wait3A_659 : memref<1x!tpu.dma_semaphore, #tpu.memory_space<semaphore_mem>> -> memref<!tpu.dma_semaphore, #tpu.memory_space<semaphore_mem>>
        %dma_wait3A_661 = arith.constant 0 : i32
        %dma_wait3A_662 = tpu.memref_slice %arg4[%add3A_650, %dma_wait3A_661] : memref<3276800x64xf32, #tpu.memory_space<hbm>> -> memref<640x64xf32, #tpu.memory_space<hbm>>
        %dma_wait3A_663 = arith.constant 0 : i32
        %dma_wait3A_664 = arith.constant 0 : i32
        %dma_wait3A_665 = tpu.memref_slice %arg7[%dma_wait3A_651, %dma_wait3A_663, %dma_wait3A_664] : memref<2x640x64xf32, #tpu.memory_space<vmem>> -> memref<1x640x64xf32, #tpu.memory_space<vmem>>
        %dma_wait3A_666 = tpu.memref_squeeze %dma_wait3A_665 : memref<1x640x64xf32, #tpu.memory_space<vmem>> -> memref<640x64xf32, #tpu.memory_space<vmem>>
        tpu.wait_dma2 semaphore(%dma_wait3A_660 : memref<!tpu.dma_semaphore, #tpu.memory_space<semaphore_mem>>) src(%dma_wait3A_666 : memref<640x64xf32, #tpu.memory_space<vmem>>) dst(%dma_wait3A_662 : memref<640x64xf32, #tpu.memory_space<hbm>>)
      } else {
      }
      %dma_start3A_391 = arith.constant 1 : i32
      %dma_start3A_392 = arith.constant 0 : i32
      %dma_start3A_393 = arith.constant 1 : i32
      %dma_start3A_394 = arith.constant 1 : i32
      %dma_start3A_395 = arith.constant 0 : i32
      %dma_start3A_396 = arith.constant 0 : i32
      %dma_start3A_397 = tpu.memref_slice %arg7[%dma_start3A_393, %dma_start3A_395, %dma_start3A_396] : memref<2x640x64xf32, #tpu.memory_space<vmem>> -> memref<1x640x64xf32, #tpu.memory_space<vmem>>
      %dma_start3A_398 = tpu.memref_squeeze %dma_start3A_397 : memref<1x640x64xf32, #tpu.memory_space<vmem>> -> memref<640x64xf32, #tpu.memory_space<vmem>>
      %dma_start3A_399 = arith.constant 0 : i32
      %dma_start3A_400 = arith.constant 0 : i32
      %dma_start3A_401 = tpu.memref_slice %dma_start3A_398[%dma_start3A_399, %dma_start3A_400] : memref<640x64xf32, #tpu.memory_space<vmem>> -> memref<128x64xf32, #tpu.memory_space<vmem>>
      %dma_start3A_402 = arith.constant 0 : i32
      %dma_start3A_403 = arith.constant 0 : i32
      %dma_start3A_404 = tpu.memref_slice %arg6[%dma_start3A_391, %dma_start3A_402, %dma_start3A_403] : memref<2x5x128xi32, #tpu.memory_space<vmem>> -> memref<1x5x128xi32, #tpu.memory_space<vmem>>
      %dma_start3A_405 = tpu.memref_squeeze %dma_start3A_404 : memref<1x5x128xi32, #tpu.memory_space<vmem>> -> memref<5x128xi32, #tpu.memory_space<vmem>>
      %dma_start3A_406 = arith.constant 0 : i32
      %dma_start3A_407 = tpu.memref_slice %dma_start3A_405[%dma_start3A_392, %dma_start3A_406] : memref<5x128xi32, #tpu.memory_space<vmem>> -> memref<1x128xi32, #tpu.memory_space<vmem>>
      %dma_start3A_408 = tpu.memref_squeeze %dma_start3A_407 : memref<1x128xi32, #tpu.memory_space<vmem>> -> memref<128xi32, #tpu.memory_space<vmem>>
      %dma_start3A_409 = arith.constant 0 : i32
      %dma_start3A_410 = arith.constant 0 : i32
      %dma_start3A_411 = tpu.memref_slice %arg5[%dma_start3A_409, %dma_start3A_410] : memref<48x64xf32, #tpu.memory_space<vmem_shared>> -> memref<48x64xf32, #tpu.memory_space<vmem_shared>>
      %dma_start3A_412 = tpu.memref_slice %arg9[%dma_start3A_394] : memref<2x!tpu.dma_semaphore, #tpu.memory_space<semaphore_mem>> -> memref<1x!tpu.dma_semaphore, #tpu.memory_space<semaphore_mem>>
      %dma_start3A_413 = tpu.memref_squeeze %dma_start3A_412 : memref<1x!tpu.dma_semaphore, #tpu.memory_space<semaphore_mem>> -> memref<!tpu.dma_semaphore, #tpu.memory_space<semaphore_mem>>
      tpu.enqueue_indirect_dma source(%dma_start3A_411 : memref<48x64xf32, #tpu.memory_space<vmem_shared>>) target(%dma_start3A_401 : memref<128x64xf32, #tpu.memory_space<vmem>>) offsets(%dma_start3A_408 : memref<128xi32, #tpu.memory_space<vmem>>) semaphore(%dma_start3A_413 : memref<!tpu.dma_semaphore, #tpu.memory_space<semaphore_mem>>)
      %dma_start3A_414 = arith.constant 1 : i32
      %dma_start3A_415 = arith.constant 1 : i32
      %dma_start3A_416 = arith.constant 1 : i32
      %dma_start3A_417 = arith.constant 1 : i32
      %dma_start3A_418 = arith.constant 0 : i32
      %dma_start3A_419 = arith.constant 0 : i32
      %dma_start3A_420 = tpu.memref_slice %arg7[%dma_start3A_416, %dma_start3A_418, %dma_start3A_419] : memref<2x640x64xf32, #tpu.memory_space<vmem>> -> memref<1x640x64xf32, #tpu.memory_space<vmem>>
      %dma_start3A_421 = tpu.memref_squeeze %dma_start3A_420 : memref<1x640x64xf32, #tpu.memory_space<vmem>> -> memref<640x64xf32, #tpu.memory_space<vmem>>
      %dma_start3A_422 = arith.constant 128 : i32
      %dma_start3A_423 = arith.constant 0 : i32
      %dma_start3A_424 = tpu.memref_slice %dma_start3A_421[%dma_start3A_422, %dma_start3A_423] : memref<640x64xf32, #tpu.memory_space<vmem>> -> memref<128x64xf32, #tpu.memory_space<vmem>>
      %dma_start3A_425 = arith.constant 0 : i32
      %dma_start3A_426 = arith.constant 0 : i32
      %dma_start3A_427 = tpu.memref_slice %arg6[%dma_start3A_414, %dma_start3A_425, %dma_start3A_426] : memref<2x5x128xi32, #tpu.memory_space<vmem>> -> memref<1x5x128xi32, #tpu.memory_space<vmem>>
      %dma_start3A_428 = tpu.memref_squeeze %dma_start3A_427 : memref<1x5x128xi32, #tpu.memory_space<vmem>> -> memref<5x128xi32, #tpu.memory_space<vmem>>
      %dma_start3A_429 = arith.constant 0 : i32
      %dma_start3A_430 = tpu.memref_slice %dma_start3A_428[%dma_start3A_415, %dma_start3A_429] : memref<5x128xi32, #tpu.memory_space<vmem>> -> memref<1x128xi32, #tpu.memory_space<vmem>>
      %dma_start3A_431 = tpu.memref_squeeze %dma_start3A_430 : memref<1x128xi32, #tpu.memory_space<vmem>> -> memref<128xi32, #tpu.memory_space<vmem>>
      %dma_start3A_432 = arith.constant 0 : i32
      %dma_start3A_433 = arith.constant 0 : i32
      %dma_start3A_434 = tpu.memref_slice %arg5[%dma_start3A_432, %dma_start3A_433] : memref<48x64xf32, #tpu.memory_space<vmem_shared>> -> memref<48x64xf32, #tpu.memory_space<vmem_shared>>
      %dma_start3A_435 = tpu.memref_slice %arg9[%dma_start3A_417] : memref<2x!tpu.dma_semaphore, #tpu.memory_space<semaphore_mem>> -> memref<1x!tpu.dma_semaphore, #tpu.memory_space<semaphore_mem>>
      %dma_start3A_436 = tpu.memref_squeeze %dma_start3A_435 : memref<1x!tpu.dma_semaphore, #tpu.memory_space<semaphore_mem>> -> memref<!tpu.dma_semaphore, #tpu.memory_space<semaphore_mem>>
      tpu.enqueue_indirect_dma source(%dma_start3A_434 : memref<48x64xf32, #tpu.memory_space<vmem_shared>>) target(%dma_start3A_424 : memref<128x64xf32, #tpu.memory_space<vmem>>) offsets(%dma_start3A_431 : memref<128xi32, #tpu.memory_space<vmem>>) semaphore(%dma_start3A_436 : memref<!tpu.dma_semaphore, #tpu.memory_space<semaphore_mem>>)
      %dma_start3A_437 = arith.constant 1 : i32
      %dma_start3A_438 = arith.constant 2 : i32
      %dma_start3A_439 = arith.constant 1 : i32
      %dma_start3A_440 = arith.constant 1 : i32
      %dma_start3A_441 = arith.constant 0 : i32
      %dma_start3A_442 = arith.constant 0 : i32
      %dma_start3A_443 = tpu.memref_slice %arg7[%dma_start3A_439, %dma_start3A_441, %dma_start3A_442] : memref<2x640x64xf32, #tpu.memory_space<vmem>> -> memref<1x640x64xf32, #tpu.memory_space<vmem>>
      %dma_start3A_444 = tpu.memref_squeeze %dma_start3A_443 : memref<1x640x64xf32, #tpu.memory_space<vmem>> -> memref<640x64xf32, #tpu.memory_space<vmem>>
      %dma_start3A_445 = arith.constant 256 : i32
      %dma_start3A_446 = arith.constant 0 : i32
      %dma_start3A_447 = tpu.memref_slice %dma_start3A_444[%dma_start3A_445, %dma_start3A_446] : memref<640x64xf32, #tpu.memory_space<vmem>> -> memref<128x64xf32, #tpu.memory_space<vmem>>
      %dma_start3A_448 = arith.constant 0 : i32
      %dma_start3A_449 = arith.constant 0 : i32
      %dma_start3A_450 = tpu.memref_slice %arg6[%dma_start3A_437, %dma_start3A_448, %dma_start3A_449] : memref<2x5x128xi32, #tpu.memory_space<vmem>> -> memref<1x5x128xi32, #tpu.memory_space<vmem>>
      %dma_start3A_451 = tpu.memref_squeeze %dma_start3A_450 : memref<1x5x128xi32, #tpu.memory_space<vmem>> -> memref<5x128xi32, #tpu.memory_space<vmem>>
      %dma_start3A_452 = arith.constant 0 : i32
      %dma_start3A_453 = tpu.memref_slice %dma_start3A_451[%dma_start3A_438, %dma_start3A_452] : memref<5x128xi32, #tpu.memory_space<vmem>> -> memref<1x128xi32, #tpu.memory_space<vmem>>
      %dma_start3A_454 = tpu.memref_squeeze %dma_start3A_453 : memref<1x128xi32, #tpu.memory_space<vmem>> -> memref<128xi32, #tpu.memory_space<vmem>>
      %dma_start3A_455 = arith.constant 0 : i32
      %dma_start3A_456 = arith.constant 0 : i32
      %dma_start3A_457 = tpu.memref_slice %arg5[%dma_start3A_455, %dma_start3A_456] : memref<48x64xf32, #tpu.memory_space<vmem_shared>> -> memref<48x64xf32, #tpu.memory_space<vmem_shared>>
      %dma_start3A_458 = tpu.memref_slice %arg9[%dma_start3A_440] : memref<2x!tpu.dma_semaphore, #tpu.memory_space<semaphore_mem>> -> memref<1x!tpu.dma_semaphore, #tpu.memory_space<semaphore_mem>>
      %dma_start3A_459 = tpu.memref_squeeze %dma_start3A_458 : memref<1x!tpu.dma_semaphore, #tpu.memory_space<semaphore_mem>> -> memref<!tpu.dma_semaphore, #tpu.memory_space<semaphore_mem>>
      tpu.enqueue_indirect_dma source(%dma_start3A_457 : memref<48x64xf32, #tpu.memory_space<vmem_shared>>) target(%dma_start3A_447 : memref<128x64xf32, #tpu.memory_space<vmem>>) offsets(%dma_start3A_454 : memref<128xi32, #tpu.memory_space<vmem>>) semaphore(%dma_start3A_459 : memref<!tpu.dma_semaphore, #tpu.memory_space<semaphore_mem>>)
      %dma_start3A_460 = arith.constant 1 : i32
      %dma_start3A_461 = arith.constant 3 : i32
      %dma_start3A_462 = arith.constant 1 : i32
      %dma_start3A_463 = arith.constant 1 : i32
      %dma_start3A_464 = arith.constant 0 : i32
      %dma_start3A_465 = arith.constant 0 : i32
      %dma_start3A_466 = tpu.memref_slice %arg7[%dma_start3A_462, %dma_start3A_464, %dma_start3A_465] : memref<2x640x64xf32, #tpu.memory_space<vmem>> -> memref<1x640x64xf32, #tpu.memory_space<vmem>>
      %dma_start3A_467 = tpu.memref_squeeze %dma_start3A_466 : memref<1x640x64xf32, #tpu.memory_space<vmem>> -> memref<640x64xf32, #tpu.memory_space<vmem>>
      %dma_start3A_468 = arith.constant 384 : i32
      %dma_start3A_469 = arith.constant 0 : i32
      %dma_start3A_470 = tpu.memref_slice %dma_start3A_467[%dma_start3A_468, %dma_start3A_469] : memref<640x64xf32, #tpu.memory_space<vmem>> -> memref<128x64xf32, #tpu.memory_space<vmem>>
      %dma_start3A_471 = arith.constant 0 : i32
      %dma_start3A_472 = arith.constant 0 : i32
      %dma_start3A_473 = tpu.memref_slice %arg6[%dma_start3A_460, %dma_start3A_471, %dma_start3A_472] : memref<2x5x128xi32, #tpu.memory_space<vmem>> -> memref<1x5x128xi32, #tpu.memory_space<vmem>>
      %dma_start3A_474 = tpu.memref_squeeze %dma_start3A_473 : memref<1x5x128xi32, #tpu.memory_space<vmem>> -> memref<5x128xi32, #tpu.memory_space<vmem>>
      %dma_start3A_475 = arith.constant 0 : i32
      %dma_start3A_476 = tpu.memref_slice %dma_start3A_474[%dma_start3A_461, %dma_start3A_475] : memref<5x128xi32, #tpu.memory_space<vmem>> -> memref<1x128xi32, #tpu.memory_space<vmem>>
      %dma_start3A_477 = tpu.memref_squeeze %dma_start3A_476 : memref<1x128xi32, #tpu.memory_space<vmem>> -> memref<128xi32, #tpu.memory_space<vmem>>
      %dma_start3A_478 = arith.constant 0 : i32
      %dma_start3A_479 = arith.constant 0 : i32
      %dma_start3A_480 = tpu.memref_slice %arg5[%dma_start3A_478, %dma_start3A_479] : memref<48x64xf32, #tpu.memory_space<vmem_shared>> -> memref<48x64xf32, #tpu.memory_space<vmem_shared>>
      %dma_start3A_481 = tpu.memref_slice %arg9[%dma_start3A_463] : memref<2x!tpu.dma_semaphore, #tpu.memory_space<semaphore_mem>> -> memref<1x!tpu.dma_semaphore, #tpu.memory_space<semaphore_mem>>
      %dma_start3A_482 = tpu.memref_squeeze %dma_start3A_481 : memref<1x!tpu.dma_semaphore, #tpu.memory_space<semaphore_mem>> -> memref<!tpu.dma_semaphore, #tpu.memory_space<semaphore_mem>>
      tpu.enqueue_indirect_dma source(%dma_start3A_480 : memref<48x64xf32, #tpu.memory_space<vmem_shared>>) target(%dma_start3A_470 : memref<128x64xf32, #tpu.memory_space<vmem>>) offsets(%dma_start3A_477 : memref<128xi32, #tpu.memory_space<vmem>>) semaphore(%dma_start3A_482 : memref<!tpu.dma_semaphore, #tpu.memory_space<semaphore_mem>>)
      %dma_start3A_483 = arith.constant 1 : i32
      %dma_start3A_484 = arith.constant 4 : i32
      %dma_start3A_485 = arith.constant 1 : i32
      %dma_start3A_486 = arith.constant 1 : i32
      %dma_start3A_487 = arith.constant 0 : i32
      %dma_start3A_488 = arith.constant 0 : i32
      %dma_start3A_489 = tpu.memref_slice %arg7[%dma_start3A_485, %dma_start3A_487, %dma_start3A_488] : memref<2x640x64xf32, #tpu.memory_space<vmem>> -> memref<1x640x64xf32, #tpu.memory_space<vmem>>
      %dma_start3A_490 = tpu.memref_squeeze %dma_start3A_489 : memref<1x640x64xf32, #tpu.memory_space<vmem>> -> memref<640x64xf32, #tpu.memory_space<vmem>>
      %dma_start3A_491 = arith.constant 512 : i32
      %dma_start3A_492 = arith.constant 0 : i32
      %dma_start3A_493 = tpu.memref_slice %dma_start3A_490[%dma_start3A_491, %dma_start3A_492] : memref<640x64xf32, #tpu.memory_space<vmem>> -> memref<128x64xf32, #tpu.memory_space<vmem>>
      %dma_start3A_494 = arith.constant 0 : i32
      %dma_start3A_495 = arith.constant 0 : i32
      %dma_start3A_496 = tpu.memref_slice %arg6[%dma_start3A_483, %dma_start3A_494, %dma_start3A_495] : memref<2x5x128xi32, #tpu.memory_space<vmem>> -> memref<1x5x128xi32, #tpu.memory_space<vmem>>
      %dma_start3A_497 = tpu.memref_squeeze %dma_start3A_496 : memref<1x5x128xi32, #tpu.memory_space<vmem>> -> memref<5x128xi32, #tpu.memory_space<vmem>>
      %dma_start3A_498 = arith.constant 0 : i32
      %dma_start3A_499 = tpu.memref_slice %dma_start3A_497[%dma_start3A_484, %dma_start3A_498] : memref<5x128xi32, #tpu.memory_space<vmem>> -> memref<1x128xi32, #tpu.memory_space<vmem>>
      %dma_start3A_500 = tpu.memref_squeeze %dma_start3A_499 : memref<1x128xi32, #tpu.memory_space<vmem>> -> memref<128xi32, #tpu.memory_space<vmem>>
      %dma_start3A_501 = arith.constant 0 : i32
      %dma_start3A_502 = arith.constant 0 : i32
      %dma_start3A_503 = tpu.memref_slice %arg5[%dma_start3A_501, %dma_start3A_502] : memref<48x64xf32, #tpu.memory_space<vmem_shared>> -> memref<48x64xf32, #tpu.memory_space<vmem_shared>>
      %dma_start3A_504 = tpu.memref_slice %arg9[%dma_start3A_486] : memref<2x!tpu.dma_semaphore, #tpu.memory_space<semaphore_mem>> -> memref<1x!tpu.dma_semaphore, #tpu.memory_space<semaphore_mem>>
      %dma_start3A_505 = tpu.memref_squeeze %dma_start3A_504 : memref<1x!tpu.dma_semaphore, #tpu.memory_space<semaphore_mem>> -> memref<!tpu.dma_semaphore, #tpu.memory_space<semaphore_mem>>
      tpu.enqueue_indirect_dma source(%dma_start3A_503 : memref<48x64xf32, #tpu.memory_space<vmem_shared>>) target(%dma_start3A_493 : memref<128x64xf32, #tpu.memory_space<vmem>>) offsets(%dma_start3A_500 : memref<128xi32, #tpu.memory_space<vmem>>) semaphore(%dma_start3A_505 : memref<!tpu.dma_semaphore, #tpu.memory_space<semaphore_mem>>)
      %dma_wait3A_506 = arith.constant 1 : i32
      %dma_wait3A_507 = arith.constant 0 : i32
      %dma_wait3A_508 = arith.constant 1 : i32
      %dma_wait3A_509 = arith.constant 1 : i32
      %dma_wait3A_510 = arith.constant 0 : i32
      %dma_wait3A_511 = arith.constant 0 : i32
      %dma_wait3A_512 = tpu.memref_slice %arg7[%dma_wait3A_508, %dma_wait3A_510, %dma_wait3A_511] : memref<2x640x64xf32, #tpu.memory_space<vmem>> -> memref<1x640x64xf32, #tpu.memory_space<vmem>>
      %dma_wait3A_513 = tpu.memref_squeeze %dma_wait3A_512 : memref<1x640x64xf32, #tpu.memory_space<vmem>> -> memref<640x64xf32, #tpu.memory_space<vmem>>
      %dma_wait3A_514 = arith.constant 0 : i32
      %dma_wait3A_515 = arith.constant 0 : i32
      %dma_wait3A_516 = tpu.memref_slice %dma_wait3A_513[%dma_wait3A_514, %dma_wait3A_515] : memref<640x64xf32, #tpu.memory_space<vmem>> -> memref<128x64xf32, #tpu.memory_space<vmem>>
      %dma_wait3A_517 = arith.constant 0 : i32
      %dma_wait3A_518 = arith.constant 0 : i32
      %dma_wait3A_519 = tpu.memref_slice %arg6[%dma_wait3A_506, %dma_wait3A_517, %dma_wait3A_518] : memref<2x5x128xi32, #tpu.memory_space<vmem>> -> memref<1x5x128xi32, #tpu.memory_space<vmem>>
      %dma_wait3A_520 = tpu.memref_squeeze %dma_wait3A_519 : memref<1x5x128xi32, #tpu.memory_space<vmem>> -> memref<5x128xi32, #tpu.memory_space<vmem>>
      %dma_wait3A_521 = arith.constant 0 : i32
      %dma_wait3A_522 = tpu.memref_slice %dma_wait3A_520[%dma_wait3A_507, %dma_wait3A_521] : memref<5x128xi32, #tpu.memory_space<vmem>> -> memref<1x128xi32, #tpu.memory_space<vmem>>
      %dma_wait3A_523 = tpu.memref_squeeze %dma_wait3A_522 : memref<1x128xi32, #tpu.memory_space<vmem>> -> memref<128xi32, #tpu.memory_space<vmem>>
      %dma_wait3A_524 = arith.constant 0 : i32
      %dma_wait3A_525 = arith.constant 0 : i32
      %dma_wait3A_526 = tpu.memref_slice %arg5[%dma_wait3A_524, %dma_wait3A_525] : memref<48x64xf32, #tpu.memory_space<vmem_shared>> -> memref<48x64xf32, #tpu.memory_space<vmem_shared>>
      %dma_wait3A_527 = tpu.memref_slice %arg9[%dma_wait3A_509] : memref<2x!tpu.dma_semaphore, #tpu.memory_space<semaphore_mem>> -> memref<1x!tpu.dma_semaphore, #tpu.memory_space<semaphore_mem>>
      %dma_wait3A_528 = tpu.memref_squeeze %dma_wait3A_527 : memref<1x!tpu.dma_semaphore, #tpu.memory_space<semaphore_mem>> -> memref<!tpu.dma_semaphore, #tpu.memory_space<semaphore_mem>>
      tpu.wait_indirect_dma semaphore(%dma_wait3A_528 : memref<!tpu.dma_semaphore, #tpu.memory_space<semaphore_mem>>) src(%dma_wait3A_526 : memref<48x64xf32, #tpu.memory_space<vmem_shared>>) dst(%dma_wait3A_516 : memref<128x64xf32, #tpu.memory_space<vmem>>)
      %dma_wait3A_529 = arith.constant 1 : i32
      %dma_wait3A_530 = arith.constant 1 : i32
      %dma_wait3A_531 = arith.constant 1 : i32
      %dma_wait3A_532 = arith.constant 1 : i32
      %dma_wait3A_533 = arith.constant 0 : i32
      %dma_wait3A_534 = arith.constant 0 : i32
      %dma_wait3A_535 = tpu.memref_slice %arg7[%dma_wait3A_531, %dma_wait3A_533, %dma_wait3A_534] : memref<2x640x64xf32, #tpu.memory_space<vmem>> -> memref<1x640x64xf32, #tpu.memory_space<vmem>>
      %dma_wait3A_536 = tpu.memref_squeeze %dma_wait3A_535 : memref<1x640x64xf32, #tpu.memory_space<vmem>> -> memref<640x64xf32, #tpu.memory_space<vmem>>
      %dma_wait3A_537 = arith.constant 128 : i32
      %dma_wait3A_538 = arith.constant 0 : i32
      %dma_wait3A_539 = tpu.memref_slice %dma_wait3A_536[%dma_wait3A_537, %dma_wait3A_538] : memref<640x64xf32, #tpu.memory_space<vmem>> -> memref<128x64xf32, #tpu.memory_space<vmem>>
      %dma_wait3A_540 = arith.constant 0 : i32
      %dma_wait3A_541 = arith.constant 0 : i32
      %dma_wait3A_542 = tpu.memref_slice %arg6[%dma_wait3A_529, %dma_wait3A_540, %dma_wait3A_541] : memref<2x5x128xi32, #tpu.memory_space<vmem>> -> memref<1x5x128xi32, #tpu.memory_space<vmem>>
      %dma_wait3A_543 = tpu.memref_squeeze %dma_wait3A_542 : memref<1x5x128xi32, #tpu.memory_space<vmem>> -> memref<5x128xi32, #tpu.memory_space<vmem>>
      %dma_wait3A_544 = arith.constant 0 : i32
      %dma_wait3A_545 = tpu.memref_slice %dma_wait3A_543[%dma_wait3A_530, %dma_wait3A_544] : memref<5x128xi32, #tpu.memory_space<vmem>> -> memref<1x128xi32, #tpu.memory_space<vmem>>
      %dma_wait3A_546 = tpu.memref_squeeze %dma_wait3A_545 : memref<1x128xi32, #tpu.memory_space<vmem>> -> memref<128xi32, #tpu.memory_space<vmem>>
      %dma_wait3A_547 = arith.constant 0 : i32
      %dma_wait3A_548 = arith.constant 0 : i32
      %dma_wait3A_549 = tpu.memref_slice %arg5[%dma_wait3A_547, %dma_wait3A_548] : memref<48x64xf32, #tpu.memory_space<vmem_shared>> -> memref<48x64xf32, #tpu.memory_space<vmem_shared>>
      %dma_wait3A_550 = tpu.memref_slice %arg9[%dma_wait3A_532] : memref<2x!tpu.dma_semaphore, #tpu.memory_space<semaphore_mem>> -> memref<1x!tpu.dma_semaphore, #tpu.memory_space<semaphore_mem>>
      %dma_wait3A_551 = tpu.memref_squeeze %dma_wait3A_550 : memref<1x!tpu.dma_semaphore, #tpu.memory_space<semaphore_mem>> -> memref<!tpu.dma_semaphore, #tpu.memory_space<semaphore_mem>>
      tpu.wait_indirect_dma semaphore(%dma_wait3A_551 : memref<!tpu.dma_semaphore, #tpu.memory_space<semaphore_mem>>) src(%dma_wait3A_549 : memref<48x64xf32, #tpu.memory_space<vmem_shared>>) dst(%dma_wait3A_539 : memref<128x64xf32, #tpu.memory_space<vmem>>)
      %dma_wait3A_552 = arith.constant 1 : i32
      %dma_wait3A_553 = arith.constant 2 : i32
      %dma_wait3A_554 = arith.constant 1 : i32
      %dma_wait3A_555 = arith.constant 1 : i32
      %dma_wait3A_556 = arith.constant 0 : i32
      %dma_wait3A_557 = arith.constant 0 : i32
      %dma_wait3A_558 = tpu.memref_slice %arg7[%dma_wait3A_554, %dma_wait3A_556, %dma_wait3A_557] : memref<2x640x64xf32, #tpu.memory_space<vmem>> -> memref<1x640x64xf32, #tpu.memory_space<vmem>>
      %dma_wait3A_559 = tpu.memref_squeeze %dma_wait3A_558 : memref<1x640x64xf32, #tpu.memory_space<vmem>> -> memref<640x64xf32, #tpu.memory_space<vmem>>
      %dma_wait3A_560 = arith.constant 256 : i32
      %dma_wait3A_561 = arith.constant 0 : i32
      %dma_wait3A_562 = tpu.memref_slice %dma_wait3A_559[%dma_wait3A_560, %dma_wait3A_561] : memref<640x64xf32, #tpu.memory_space<vmem>> -> memref<128x64xf32, #tpu.memory_space<vmem>>
      %dma_wait3A_563 = arith.constant 0 : i32
      %dma_wait3A_564 = arith.constant 0 : i32
      %dma_wait3A_565 = tpu.memref_slice %arg6[%dma_wait3A_552, %dma_wait3A_563, %dma_wait3A_564] : memref<2x5x128xi32, #tpu.memory_space<vmem>> -> memref<1x5x128xi32, #tpu.memory_space<vmem>>
      %dma_wait3A_566 = tpu.memref_squeeze %dma_wait3A_565 : memref<1x5x128xi32, #tpu.memory_space<vmem>> -> memref<5x128xi32, #tpu.memory_space<vmem>>
      %dma_wait3A_567 = arith.constant 0 : i32
      %dma_wait3A_568 = tpu.memref_slice %dma_wait3A_566[%dma_wait3A_553, %dma_wait3A_567] : memref<5x128xi32, #tpu.memory_space<vmem>> -> memref<1x128xi32, #tpu.memory_space<vmem>>
      %dma_wait3A_569 = tpu.memref_squeeze %dma_wait3A_568 : memref<1x128xi32, #tpu.memory_space<vmem>> -> memref<128xi32, #tpu.memory_space<vmem>>
      %dma_wait3A_570 = arith.constant 0 : i32
      %dma_wait3A_571 = arith.constant 0 : i32
      %dma_wait3A_572 = tpu.memref_slice %arg5[%dma_wait3A_570, %dma_wait3A_571] : memref<48x64xf32, #tpu.memory_space<vmem_shared>> -> memref<48x64xf32, #tpu.memory_space<vmem_shared>>
      %dma_wait3A_573 = tpu.memref_slice %arg9[%dma_wait3A_555] : memref<2x!tpu.dma_semaphore, #tpu.memory_space<semaphore_mem>> -> memref<1x!tpu.dma_semaphore, #tpu.memory_space<semaphore_mem>>
      %dma_wait3A_574 = tpu.memref_squeeze %dma_wait3A_573 : memref<1x!tpu.dma_semaphore, #tpu.memory_space<semaphore_mem>> -> memref<!tpu.dma_semaphore, #tpu.memory_space<semaphore_mem>>
      tpu.wait_indirect_dma semaphore(%dma_wait3A_574 : memref<!tpu.dma_semaphore, #tpu.memory_space<semaphore_mem>>) src(%dma_wait3A_572 : memref<48x64xf32, #tpu.memory_space<vmem_shared>>) dst(%dma_wait3A_562 : memref<128x64xf32, #tpu.memory_space<vmem>>)
      %dma_wait3A_575 = arith.constant 1 : i32
      %dma_wait3A_576 = arith.constant 3 : i32
      %dma_wait3A_577 = arith.constant 1 : i32
      %dma_wait3A_578 = arith.constant 1 : i32
      %dma_wait3A_579 = arith.constant 0 : i32
      %dma_wait3A_580 = arith.constant 0 : i32
      %dma_wait3A_581 = tpu.memref_slice %arg7[%dma_wait3A_577, %dma_wait3A_579, %dma_wait3A_580] : memref<2x640x64xf32, #tpu.memory_space<vmem>> -> memref<1x640x64xf32, #tpu.memory_space<vmem>>
      %dma_wait3A_582 = tpu.memref_squeeze %dma_wait3A_581 : memref<1x640x64xf32, #tpu.memory_space<vmem>> -> memref<640x64xf32, #tpu.memory_space<vmem>>
      %dma_wait3A_583 = arith.constant 384 : i32
      %dma_wait3A_584 = arith.constant 0 : i32
      %dma_wait3A_585 = tpu.memref_slice %dma_wait3A_582[%dma_wait3A_583, %dma_wait3A_584] : memref<640x64xf32, #tpu.memory_space<vmem>> -> memref<128x64xf32, #tpu.memory_space<vmem>>
      %dma_wait3A_586 = arith.constant 0 : i32
      %dma_wait3A_587 = arith.constant 0 : i32
      %dma_wait3A_588 = tpu.memref_slice %arg6[%dma_wait3A_575, %dma_wait3A_586, %dma_wait3A_587] : memref<2x5x128xi32, #tpu.memory_space<vmem>> -> memref<1x5x128xi32, #tpu.memory_space<vmem>>
      %dma_wait3A_589 = tpu.memref_squeeze %dma_wait3A_588 : memref<1x5x128xi32, #tpu.memory_space<vmem>> -> memref<5x128xi32, #tpu.memory_space<vmem>>
      %dma_wait3A_590 = arith.constant 0 : i32
      %dma_wait3A_591 = tpu.memref_slice %dma_wait3A_589[%dma_wait3A_576, %dma_wait3A_590] : memref<5x128xi32, #tpu.memory_space<vmem>> -> memref<1x128xi32, #tpu.memory_space<vmem>>
      %dma_wait3A_592 = tpu.memref_squeeze %dma_wait3A_591 : memref<1x128xi32, #tpu.memory_space<vmem>> -> memref<128xi32, #tpu.memory_space<vmem>>
      %dma_wait3A_593 = arith.constant 0 : i32
      %dma_wait3A_594 = arith.constant 0 : i32
      %dma_wait3A_595 = tpu.memref_slice %arg5[%dma_wait3A_593, %dma_wait3A_594] : memref<48x64xf32, #tpu.memory_space<vmem_shared>> -> memref<48x64xf32, #tpu.memory_space<vmem_shared>>
      %dma_wait3A_596 = tpu.memref_slice %arg9[%dma_wait3A_578] : memref<2x!tpu.dma_semaphore, #tpu.memory_space<semaphore_mem>> -> memref<1x!tpu.dma_semaphore, #tpu.memory_space<semaphore_mem>>
      %dma_wait3A_597 = tpu.memref_squeeze %dma_wait3A_596 : memref<1x!tpu.dma_semaphore, #tpu.memory_space<semaphore_mem>> -> memref<!tpu.dma_semaphore, #tpu.memory_space<semaphore_mem>>
      tpu.wait_indirect_dma semaphore(%dma_wait3A_597 : memref<!tpu.dma_semaphore, #tpu.memory_space<semaphore_mem>>) src(%dma_wait3A_595 : memref<48x64xf32, #tpu.memory_space<vmem_shared>>) dst(%dma_wait3A_585 : memref<128x64xf32, #tpu.memory_space<vmem>>)
      %dma_wait3A_598 = arith.constant 1 : i32
      %dma_wait3A_599 = arith.constant 4 : i32
      %dma_wait3A_600 = arith.constant 1 : i32
      %dma_wait3A_601 = arith.constant 1 : i32
      %dma_wait3A_602 = arith.constant 0 : i32
      %dma_wait3A_603 = arith.constant 0 : i32
      %dma_wait3A_604 = tpu.memref_slice %arg7[%dma_wait3A_600, %dma_wait3A_602, %dma_wait3A_603] : memref<2x640x64xf32, #tpu.memory_space<vmem>> -> memref<1x640x64xf32, #tpu.memory_space<vmem>>
      %dma_wait3A_605 = tpu.memref_squeeze %dma_wait3A_604 : memref<1x640x64xf32, #tpu.memory_space<vmem>> -> memref<640x64xf32, #tpu.memory_space<vmem>>
      %dma_wait3A_606 = arith.constant 512 : i32
      %dma_wait3A_607 = arith.constant 0 : i32
      %dma_wait3A_608 = tpu.memref_slice %dma_wait3A_605[%dma_wait3A_606, %dma_wait3A_607] : memref<640x64xf32, #tpu.memory_space<vmem>> -> memref<128x64xf32, #tpu.memory_space<vmem>>
      %dma_wait3A_609 = arith.constant 0 : i32
      %dma_wait3A_610 = arith.constant 0 : i32
      %dma_wait3A_611 = tpu.memref_slice %arg6[%dma_wait3A_598, %dma_wait3A_609, %dma_wait3A_610] : memref<2x5x128xi32, #tpu.memory_space<vmem>> -> memref<1x5x128xi32, #tpu.memory_space<vmem>>
      %dma_wait3A_612 = tpu.memref_squeeze %dma_wait3A_611 : memref<1x5x128xi32, #tpu.memory_space<vmem>> -> memref<5x128xi32, #tpu.memory_space<vmem>>
      %dma_wait3A_613 = arith.constant 0 : i32
      %dma_wait3A_614 = tpu.memref_slice %dma_wait3A_612[%dma_wait3A_599, %dma_wait3A_613] : memref<5x128xi32, #tpu.memory_space<vmem>> -> memref<1x128xi32, #tpu.memory_space<vmem>>
      %dma_wait3A_615 = tpu.memref_squeeze %dma_wait3A_614 : memref<1x128xi32, #tpu.memory_space<vmem>> -> memref<128xi32, #tpu.memory_space<vmem>>
      %dma_wait3A_616 = arith.constant 0 : i32
      %dma_wait3A_617 = arith.constant 0 : i32
      %dma_wait3A_618 = tpu.memref_slice %arg5[%dma_wait3A_616, %dma_wait3A_617] : memref<48x64xf32, #tpu.memory_space<vmem_shared>> -> memref<48x64xf32, #tpu.memory_space<vmem_shared>>
      %dma_wait3A_619 = tpu.memref_slice %arg9[%dma_wait3A_601] : memref<2x!tpu.dma_semaphore, #tpu.memory_space<semaphore_mem>> -> memref<1x!tpu.dma_semaphore, #tpu.memory_space<semaphore_mem>>
      %dma_wait3A_620 = tpu.memref_squeeze %dma_wait3A_619 : memref<1x!tpu.dma_semaphore, #tpu.memory_space<semaphore_mem>> -> memref<!tpu.dma_semaphore, #tpu.memory_space<semaphore_mem>>
      tpu.wait_indirect_dma semaphore(%dma_wait3A_620 : memref<!tpu.dma_semaphore, #tpu.memory_space<semaphore_mem>>) src(%dma_wait3A_618 : memref<48x64xf32, #tpu.memory_space<vmem_shared>>) dst(%dma_wait3A_608 : memref<128x64xf32, #tpu.memory_space<vmem>>)
      %add3A_621 = arith.constant 2 : i32
      %add3A_622 = arith.addi %add3A_366, %add3A_621 : i32
      %lt3A_623 = arith.constant 160 : i32
      %lt3A_624 = arith.cmpi slt, %add3A_622, %lt3A_623 : i32
      %convert_element_type3A_625 = arith.extui %lt3A_624 : i1 to i32
      %cond3A_626 = arith.constant 0 : i32
      %cond3A_627 = arith.cmpi ne, %convert_element_type3A_625, %cond3A_626 : i32
      scf.if %cond3A_627 {
        %add3A_647 = arith.constant 2 : i32
        %add3A_648 = arith.addi %add3A_366, %add3A_647 : i32
        %mul3A_649 = arith.constant 5 : i32
        %mul3A_650 = arith.muli %add3A_648, %mul3A_649 : i32
        %add3A_651 = arith.addi %mul3A_2, %mul3A_650 : i32
        %dma_start3A_652 = arith.constant 1 : i32
        %dma_start3A_653 = arith.constant 1 : i32
        %dma_start3A_654 = arith.constant 0 : i32
        %dma_start3A_655 = arith.constant 0 : i32
        %dma_start3A_656 = tpu.memref_slice %arg6[%dma_start3A_652, %dma_start3A_654, %dma_start3A_655] : memref<2x5x128xi32, #tpu.memory_space<vmem>> -> memref<1x5x128xi32, #tpu.memory_space<vmem>>
        %dma_start3A_657 = tpu.memref_squeeze %dma_start3A_656 : memref<1x5x128xi32, #tpu.memory_space<vmem>> -> memref<5x128xi32, #tpu.memory_space<vmem>>
        %dma_start3A_658 = arith.constant 0 : i32
        %dma_start3A_659 = tpu.memref_slice %arg3[%add3A_651, %dma_start3A_658] : memref<25600x128xi32, #tpu.memory_space<hbm>> -> memref<5x128xi32, #tpu.memory_space<hbm>>
        %dma_start3A_660 = tpu.memref_slice %arg8[%dma_start3A_653] : memref<2x!tpu.dma_semaphore, #tpu.memory_space<semaphore_mem>> -> memref<1x!tpu.dma_semaphore, #tpu.memory_space<semaphore_mem>>
        %dma_start3A_661 = tpu.memref_squeeze %dma_start3A_660 : memref<1x!tpu.dma_semaphore, #tpu.memory_space<semaphore_mem>> -> memref<!tpu.dma_semaphore, #tpu.memory_space<semaphore_mem>>
        %dma_start3A_662 = arith.constant 0 : i32
        %dma_start3A_663 = arith.constant 0 : i32
        %dma_start3A_664 = tpu.memref_slice %arg6[%dma_start3A_652, %dma_start3A_662, %dma_start3A_663] : memref<2x5x128xi32, #tpu.memory_space<vmem>> -> memref<1x5x128xi32, #tpu.memory_space<vmem>>
        %dma_start3A_665 = tpu.memref_squeeze %dma_start3A_664 : memref<1x5x128xi32, #tpu.memory_space<vmem>> -> memref<5x128xi32, #tpu.memory_space<vmem>>
        %dma_start3A_666 = arith.constant 0 : i32
        %dma_start3A_667 = tpu.memref_slice %arg3[%add3A_651, %dma_start3A_666] : memref<25600x128xi32, #tpu.memory_space<hbm>> -> memref<5x128xi32, #tpu.memory_space<hbm>>
        tpu.enqueue_dma source(%dma_start3A_667 : memref<5x128xi32, #tpu.memory_space<hbm>>) target(%dma_start3A_665 : memref<5x128xi32, #tpu.memory_space<vmem>>) target_semaphore(%dma_start3A_661 : memref<!tpu.dma_semaphore, #tpu.memory_space<semaphore_mem>>)
      } else {
      }
      %mul3A_628 = arith.constant 640 : i32
      %mul3A_629 = arith.muli %add3A_366, %mul3A_628 : i32
      %add3A_630 = arith.addi %mul3A_4, %mul3A_629 : i32
      %dma_start3A_631 = arith.constant 1 : i32
      %dma_start3A_632 = arith.constant 1 : i32
      %dma_start3A_633 = arith.constant 0 : i32
      %dma_start3A_634 = arith.constant 0 : i32
      %dma_start3A_635 = tpu.memref_slice %arg7[%dma_start3A_631, %dma_start3A_633, %dma_start3A_634] : memref<2x640x64xf32, #tpu.memory_space<vmem>> -> memref<1x640x64xf32, #tpu.memory_space<vmem>>
      %dma_start3A_636 = tpu.memref_squeeze %dma_start3A_635 : memref<1x640x64xf32, #tpu.memory_space<vmem>> -> memref<640x64xf32, #tpu.memory_space<vmem>>
      %dma_start3A_637 = arith.constant 0 : i32
      %dma_start3A_638 = tpu.memref_slice %arg4[%add3A_630, %dma_start3A_637] : memref<3276800x64xf32, #tpu.memory_space<hbm>> -> memref<640x64xf32, #tpu.memory_space<hbm>>
      %dma_start3A_639 = tpu.memref_slice %arg10[%dma_start3A_632] : memref<2x!tpu.dma_semaphore, #tpu.memory_space<semaphore_mem>> -> memref<1x!tpu.dma_semaphore, #tpu.memory_space<semaphore_mem>>
      %dma_start3A_640 = tpu.memref_squeeze %dma_start3A_639 : memref<1x!tpu.dma_semaphore, #tpu.memory_space<semaphore_mem>> -> memref<!tpu.dma_semaphore, #tpu.memory_space<semaphore_mem>>
      %dma_start3A_641 = arith.constant 0 : i32
      %dma_start3A_642 = tpu.memref_slice %arg4[%add3A_630, %dma_start3A_641] : memref<3276800x64xf32, #tpu.memory_space<hbm>> -> memref<640x64xf32, #tpu.memory_space<hbm>>
      %dma_start3A_643 = arith.constant 0 : i32
      %dma_start3A_644 = arith.constant 0 : i32
      %dma_start3A_645 = tpu.memref_slice %arg7[%dma_start3A_631, %dma_start3A_643, %dma_start3A_644] : memref<2x640x64xf32, #tpu.memory_space<vmem>> -> memref<1x640x64xf32, #tpu.memory_space<vmem>>
      %dma_start3A_646 = tpu.memref_squeeze %dma_start3A_645 : memref<1x640x64xf32, #tpu.memory_space<vmem>> -> memref<640x64xf32, #tpu.memory_space<vmem>>
      tpu.enqueue_dma source(%dma_start3A_646 : memref<640x64xf32, #tpu.memory_space<vmem>>) target(%dma_start3A_642 : memref<640x64xf32, #tpu.memory_space<hbm>>) target_semaphore(%dma_start3A_640 : memref<!tpu.dma_semaphore, #tpu.memory_space<semaphore_mem>>)
    }
    %scan3A_46 = arith.constant 80 : i32
    %add3A_47 = arith.constant 101120 : i32
    %add3A_48 = arith.addi %mul3A_4, %add3A_47 : i32
    %dma_wait3A = arith.constant 0 : i32
    %dma_wait3A_49 = arith.constant 0 : i32
    %dma_wait3A_50 = arith.constant 0 : i32
    %dma_wait3A_51 = arith.constant 0 : i32
    %dma_wait3A_52 = tpu.memref_slice %arg7[%dma_wait3A, %dma_wait3A_50, %dma_wait3A_51] : memref<2x640x64xf32, #tpu.memory_space<vmem>> -> memref<1x640x64xf32, #tpu.memory_space<vmem>>
    %dma_wait3A_53 = tpu.memref_squeeze %dma_wait3A_52 : memref<1x640x64xf32, #tpu.memory_space<vmem>> -> memref<640x64xf32, #tpu.memory_space<vmem>>
    %dma_wait3A_54 = arith.constant 0 : i32
    %dma_wait3A_55 = tpu.memref_slice %arg4[%add3A_48, %dma_wait3A_54] : memref<3276800x64xf32, #tpu.memory_space<hbm>> -> memref<640x64xf32, #tpu.memory_space<hbm>>
    %dma_wait3A_56 = tpu.memref_slice %arg10[%dma_wait3A_49] : memref<2x!tpu.dma_semaphore, #tpu.memory_space<semaphore_mem>> -> memref<1x!tpu.dma_semaphore, #tpu.memory_space<semaphore_mem>>
    %dma_wait3A_57 = tpu.memref_squeeze %dma_wait3A_56 : memref<1x!tpu.dma_semaphore, #tpu.memory_space<semaphore_mem>> -> memref<!tpu.dma_semaphore, #tpu.memory_space<semaphore_mem>>
    %dma_wait3A_58 = arith.constant 0 : i32
    %dma_wait3A_59 = tpu.memref_slice %arg4[%add3A_48, %dma_wait3A_58] : memref<3276800x64xf32, #tpu.memory_space<hbm>> -> memref<640x64xf32, #tpu.memory_space<hbm>>
    %dma_wait3A_60 = arith.constant 0 : i32
    %dma_wait3A_61 = arith.constant 0 : i32
    %dma_wait3A_62 = tpu.memref_slice %arg7[%dma_wait3A, %dma_wait3A_60, %dma_wait3A_61] : memref<2x640x64xf32, #tpu.memory_space<vmem>> -> memref<1x640x64xf32, #tpu.memory_space<vmem>>
    %dma_wait3A_63 = tpu.memref_squeeze %dma_wait3A_62 : memref<1x640x64xf32, #tpu.memory_space<vmem>> -> memref<640x64xf32, #tpu.memory_space<vmem>>
    tpu.wait_dma2 semaphore(%dma_wait3A_57 : memref<!tpu.dma_semaphore, #tpu.memory_space<semaphore_mem>>) src(%dma_wait3A_63 : memref<640x64xf32, #tpu.memory_space<vmem>>) dst(%dma_wait3A_59 : memref<640x64xf32, #tpu.memory_space<hbm>>)
    %add3A_64 = arith.constant 101760 : i32
    %add3A_65 = arith.addi %mul3A_4, %add3A_64 : i32
    %dma_wait3A_66 = arith.constant 1 : i32
    %dma_wait3A_67 = arith.constant 1 : i32
    %dma_wait3A_68 = arith.constant 0 : i32
    %dma_wait3A_69 = arith.constant 0 : i32
    %dma_wait3A_70 = tpu.memref_slice %arg7[%dma_wait3A_66, %dma_wait3A_68, %dma_wait3A_69] : memref<2x640x64xf32, #tpu.memory_space<vmem>> -> memref<1x640x64xf32, #tpu.memory_space<vmem>>
    %dma_wait3A_71 = tpu.memref_squeeze %dma_wait3A_70 : memref<1x640x64xf32, #tpu.memory_space<vmem>> -> memref<640x64xf32, #tpu.memory_space<vmem>>
    %dma_wait3A_72 = arith.constant 0 : i32
    %dma_wait3A_73 = tpu.memref_slice %arg4[%add3A_65, %dma_wait3A_72] : memref<3276800x64xf32, #tpu.memory_space<hbm>> -> memref<640x64xf32, #tpu.memory_space<hbm>>
    %dma_wait3A_74 = tpu.memref_slice %arg10[%dma_wait3A_67] : memref<2x!tpu.dma_semaphore, #tpu.memory_space<semaphore_mem>> -> memref<1x!tpu.dma_semaphore, #tpu.memory_space<semaphore_mem>>
    %dma_wait3A_75 = tpu.memref_squeeze %dma_wait3A_74 : memref<1x!tpu.dma_semaphore, #tpu.memory_space<semaphore_mem>> -> memref<!tpu.dma_semaphore, #tpu.memory_space<semaphore_mem>>
    %dma_wait3A_76 = arith.constant 0 : i32
    %dma_wait3A_77 = tpu.memref_slice %arg4[%add3A_65, %dma_wait3A_76] : memref<3276800x64xf32, #tpu.memory_space<hbm>> -> memref<640x64xf32, #tpu.memory_space<hbm>>
    %dma_wait3A_78 = arith.constant 0 : i32
    %dma_wait3A_79 = arith.constant 0 : i32
    %dma_wait3A_80 = tpu.memref_slice %arg7[%dma_wait3A_66, %dma_wait3A_78, %dma_wait3A_79] : memref<2x640x64xf32, #tpu.memory_space<vmem>> -> memref<1x640x64xf32, #tpu.memory_space<vmem>>
    %dma_wait3A_81 = tpu.memref_squeeze %dma_wait3A_80 : memref<1x640x64xf32, #tpu.memory_space<vmem>> -> memref<640x64xf32, #tpu.memory_space<vmem>>
    tpu.wait_dma2 semaphore(%dma_wait3A_75 : memref<!tpu.dma_semaphore, #tpu.memory_space<semaphore_mem>>) src(%dma_wait3A_81 : memref<640x64xf32, #tpu.memory_space<vmem>>) dst(%dma_wait3A_77 : memref<640x64xf32, #tpu.memory_space<hbm>>)
    return
  }
}

</mosaic_0001>

<sc_bundles>
// kernel: kernel.3.cloned.1.call-start
scs
__scs_entry_jumppad:
0x0: {  	(pc) =	sbr.rel $0x88, $3  }
0x1: {  	(tag) =	ssettag $0x0;
	lr =	simm.s32 $0x1  }
0x2: {  	[smem:$0x3F9F] =	sst lr;
	_ =	strace $0xD0000000  }
0x3: {  	_ = 	snop  }
0x4: {  	_ = 	snop  }
0x5: {  	_ = 	snop  }
0x6: {  	_ = 	snop  }
0x7: {  	_ = 	snop  }
__scs_overlays_trampoline_lowered:
0x8: {  	[smem:$0x3FAE] =	sst s0  }
0x9: {  	[smem:$0x3FAF] =	sst s1  }
0xa: {  	[smem:$0x3FB0] =	sst s2  }
0xb: {  	[smem:$0x3FB1] =	sst s3  }
0xc: {  	[smem:$0x3FB2] =	sst s4  }
0xd: {  	[smem:$0x3FB3] =	sst s5  }
0xe: {  	[smem:$0x3FB4] =	sst s6  }
0xf: {  	[smem:$0x3FB5] =	sst s7  }
0x10: {  	[smem:$0x3FB6] =	sst s8  }
0x11: {  	[smem:$0x3FB7] =	sst s9;
	s0 =	simm.s32 @!p0 $0x0  }
0x12: {  	s1 =	sld [smem:$0x3F9D];
	s0 =	simm.s32 @p0 $0x1  }
0x13: {  	[smem:$0x3FB8] =	sst s0;
	s0 =	simm.s32 @!p1 $0x0  }
0x14: {  	s2 =	sld [smem:$0x3F9C];
	s0 =	simm.s32 @p1 $0x1  }
0x15: {  	[smem:$0x3FB9] =	sst s0;
	s0 =	simm.s32 @!p2 $0x0  }
0x16: {  	s3 =	sld [smem:$0x3FDB];
	s0 =	simm.s32 @p2 $0x1  }
0x17: {  	s4 =	simm.s32 $0x1BF5;
	[smem:$0x3FBB] =	sst s0  }
0x18: {  	s0 =	sld [smem:$0x3F9E];
	_ =	swait.ge [sflag:s4], $0x0  }
0x19: {  	s7 =	sld [smem:$0x3F9F]  }
0x1a: {  	s8 =	sadd.s32 $0xFFFFE003, lr  }
0x1b: {  	s9 =	sadd.s32 $0xFFFFFEF7, lr;
	s5 =	simm.s32 $0xFFFFFFFF;
	p2 =	slt.u32 s8, $0xFFFFF086  }
0x1c: {  	p1 =	slt.u32 s9, $0xF7A;
	s5 =	simm.s32 @!p2 $0x0  }
0x1d: {  	s5 =	simm.s32 @p1 $0x1;
	p0 =	seq.s32 s7, s2  }
0x1e: {  	s7 =	smul.u32 @!p0 $0xF7A, s2;
	p2 =	seq.s32 @!p0 s5, $0x0  }
0x1f: {  	s9 =	smul.u32 $0xF7A, s1;
	s8 =	simm.s32 @!p0 $0x1BF5;
	p2 =	por !p2, p0  }
0x20: {  	[sflag:s8] =	ssyncset.s32 @!p0 $0xFFFFF086;
	s6 =	sadd.s32 @!p0 s3, s7;
	s7 =	simm.s32 @!p0 $0x108  }
0x21: {  	s3 =	sadd.s32 s3, s9;
	s6 =	sadd.s32 @!p0 $0x88, s6;
	s7 =	simm.s32 @p2 $0x1082  }
0x22: {  	[simem:s7], [sflag:s8] =	dma.local @!p0 [hbm:s6], $0xF7A  }
0x23: {  	s9 =	sor.u32 $0xD0000000, s2;
	s6 =	simm.s32 $0x108;
	_ =	swait.ge @!p0 [sflag:s8], $0x0  }
0x24: {  	s3 =	sadd.s32 $0x88, s3;
	s6 =	simm.s32 @!p1 $0x1082;
	[sflag:s4] =	ssyncset.s32 $0xFFFFF086  }
0x25: {  	[simem:s6], [sflag:s4] =	dma.local [hbm:s3], $0xF7A  }
0x26: {  	[smem:$0x3F9F] =	sst s1;
	(tag) =	ssettag s2;
	_ =	strace s9  }
0x27: {  	s1 =	sld [smem:$0x3FAF]  }
0x28: {  	s2 =	sld [smem:$0x3FB0]  }
0x29: {  	s4 =	sld [smem:$0x3FB2]  }
0x2a: {  	p0 =	seq.s32 s5, $0x0;
	s5 =	sld [smem:$0x3FB3]  }
0x2b: {  	s6 =	sld [smem:$0x3FB4]  }
0x2c: {  	s7 =	sld [smem:$0x3FB5]  }
0x2d: {  	s3 =	simm.s32 $0x108;
	s8 =	sld [smem:$0x3FB6]  }
0x2e: {  	s3 =	simm.s32 @!p0 $0x1082;
	s9 =	sld [smem:$0x3FB7]  }
0x2f: {  	lr =	sadd.s32 s0, s3;
	s0 =	sld [smem:$0x3FAE]  }
0x30: {  	s3 =	sld [smem:$0x3FB1]  }
0x31: {  	[smem:$0x3FBA] =	sst s10  }
0x32: {  	s10 =	sld [smem:$0x3FB8];
	_ =	sdelay $0x3  }
0x33: {  	p0 =	seq.s32 s10, $0x1;
	s10 =	sld [smem:$0x3FBA];
	_ =	sdelay $0x3  }
0x34: {  	[smem:$0x3FBA] =	sst s10  }
0x35: {  	s10 =	sld [smem:$0x3FB9];
	_ =	sdelay $0x3  }
0x36: {  	p1 =	seq.s32 s10, $0x1;
	s10 =	sld [smem:$0x3FBA];
	_ =	sdelay $0x3  }
0x37: {  	[smem:$0x3FBA] =	sst s10  }
0x38: {  	s10 =	sld [smem:$0x3FBB]  }
0x39: {  	_ = 	snop;
	(pc) =	sbr.ind lr, $3  }
0x3a: {  	_ = 	snop  }
0x3b: {  	_ = 	snop  }
0x3c: {  	p2 =	seq.s32 s10, $0x1;
	s10 =	sld [smem:$0x3FBA]  }
0x3d: {  	_ =	shalt  }
0x3e: {  	_ =	shalt  }
0x3f: {  	_ =	shalt  }
0x40: {  	_ =	shalt  }
0x41: {  	_ =	shalt  }
0x42: {  	_ =	shalt  }
0x43: {  	_ =	shalt  }
0x44: {  	_ =	shalt  }
0x45: {  	_ =	shalt  }
0x46: {  	_ =	shalt  }
0x47: {  	_ =	shalt  }
0x48: {  	_ =	shalt  }
0x49: {  	_ =	shalt  }
0x4a: {  	_ =	shalt  }
0x4b: {  	_ =	shalt  }
0x4c: {  	_ =	shalt  }
0x4d: {  	_ =	shalt  }
0x4e: {  	_ =	shalt  }
0x4f: {  	_ =	shalt  }
0x50: {  	_ =	shalt  }
0x51: {  	_ =	shalt  }
0x52: {  	_ =	shalt  }
0x53: {  	_ =	shalt  }
0x54: {  	_ =	shalt  }
0x55: {  	_ =	shalt  }
0x56: {  	_ =	shalt  }
0x57: {  	_ =	shalt  }
0x58: {  	_ =	shalt  }
0x59: {  	_ =	shalt  }
0x5a: {  	_ =	shalt  }
0x5b: {  	_ =	shalt  }
0x5c: {  	_ =	shalt  }
0x5d: {  	_ =	shalt  }
0x5e: {  	_ =	shalt  }
0x5f: {  	_ =	shalt  }
0x60: {  	_ =	shalt  }
0x61: {  	_ =	shalt  }
0x62: {  	_ =	shalt  }
0x63: {  	_ =	shalt  }
0x64: {  	_ =	shalt  }
0x65: {  	_ =	shalt  }
0x66: {  	_ =	shalt  }
0x67: {  	_ =	shalt  }
0x68: {  	_ =	shalt  }
0x69: {  	_ =	shalt  }
0x6a: {  	_ =	shalt  }
0x6b: {  	_ =	shalt  }
0x6c: {  	_ =	shalt  }
0x6d: {  	_ =	shalt  }
0x6e: {  	_ =	shalt  }
0x6f: {  	_ =	shalt  }
0x70: {  	_ =	shalt  }
0x71: {  	_ =	shalt  }
0x72: {  	_ =	shalt  }
0x73: {  	_ =	shalt  }
0x74: {  	_ =	shalt  }
0x75: {  	_ =	shalt  }
0x76: {  	_ =	shalt  }
0x77: {  	_ =	shalt  }
0x78: {  	_ =	shalt  }
0x79: {  	_ =	shalt  }
0x7a: {  	_ =	shalt  }
0x7b: {  	_ =	shalt  }
0x7c: {  	_ =	shalt  }
0x7d: {  	_ =	shalt  }
0x7e: {  	_ =	shalt  }
0x7f: {  	_ =	shalt  }
0x80: {  	_ =	shalt  }
0x81: {  	_ =	shalt  }
0x82: {  	_ =	shalt  }
0x83: {  	_ =	shalt  }
0x84: {  	_ =	shalt  }
0x85: {  	_ =	shalt  }
0x86: {  	_ =	shalt  }
0x87: {  	_ =	shalt  }
.Lfunc_end0:
.L_simem_size_0:
called_computation.1_lowered:
.L_overlay_start_0:
0x88: {  	s2 =	sld [smem:$0x3FD9]  }
0x89: {  	s3 =	sld [smem:$0x3FFE];
	_ =	sdelay $0x1  }
0x8a: {  	s1 =	srdreg.scid  }
0x8b: {  	s0 =	sand.u32 $0x1, s1  }
0x8c: {  	s17 =	sshll.u32 s0, $0xA;
	s2 =	sadd.s32 s3, s2  }
0x8d: {  	s2 =	sadd.s32 s2, s17  }
0x8e: {  	[smem:$0x3FC6] =	sst s2  }
0x8f: {  	_ = 	snop  }
0x90: {  	s2 =	sld [smem:$0x3FD0];
	(tm) =	ssettm $0x1  }
0x91: {  	s18 =	sld [smem:$0x3FFB];
	_ =	sdelay $0x3  }
0x92: {  	_ =	strace s18  }
0x93: {  	s3 =	sld [smem:$0x3FFC];
	_ =	sdelay $0x3  }
0x94: {  	_ =	strace s3  }
0x95: {  	s3 =	sld [smem:$0x3FFD];
	_ =	sdelay $0x3  }
0x96: {  	_ =	strace s3  }
0x97: {  	_ =	strace $0x8FFFFFFF  }
0x98: {  	s19 =	sld [smem:$0x3FDB];
	_ =	sdelay $0x1  }
0x99: {  	s4 =	simm.s32 $_scs_section_size  }
0x9a: {  	s5 =	simm.s32 $_size__tile_overlayer_lowered;
	s6 =	simm.s32 $_tile_overlayer_lowered  }
0x9b: {  	s22 =	simm.s32 $0x1BFF;
	s21 =	sshll.u32 s6, $0x1;
	s3 =	sadd.s32 s4, s19  }
0x9c: {  	s7 =	simm.s32 $0x0;
	s20 =	sshll.u32 s5, $0x1;
	s5 =	sadd.s32 s21, s3  }
0x9d: {  	[timem:s7], [sflag:s22] =	dma.local [hbm:s5], s20  }
0x9e: {  	_ =	swait.ge [sflag:s22], s20  }
0x9f: {  	s4 =	ssub.s32 $0x0, s20;
	[sflag:s22] =	ssyncset.done $0x0  }
0xa0: {  	[sflag:s22] =	ssyncadd.s32 s4;
	_ =	sdelay $0x1  }
0xa1: {  	s23 =	simm.s32 $0x1B8B  }
0xa2: {  	_ =	swait.ge [sflag:s23], $0x1  }
0xa3: {  	[sflag:s23] =	ssyncset.done $0x0  }
0xa4: {  	s25 =	simm.s32 $0x1B8E;
	s24 =	sld [smem:$0x3FFE];
	[sflag:s23] =	ssyncadd.s32 $0xFFFFFFFF  }
0xa5: {  	s26 =	simm.s32 $execute0_lowered;
	[smem:$0x3FD2] =	sst s25  }
0xa6: {  	s5 =	sshll.u32 s26, $0x1;
	_ =	strace $0x80000046;
	[dreg:$0x1] =	wrdreg $0xFFFFFFFF  }
0xa7: {  	s28 =	simm.s32 $_size_execute0_lowered;
	s3 =	sadd.s32 s3, s5;
	[dreg:$0x0] =	wrdreg $0x0  }
0xa8: {  	s5 =	sshll.u32 s28, $0x1;
	[dreg:$0x2] =	wrdreg s3  }
0xa9: {  	[dreg:$0x3] =	wrdreg s5  }
0xaa: {  	[dreg:$0x4] =	wrdreg $0xC0  }
0xab: {  	_ =	task [dreg:s7], $0x5FFFF  }
0xac: {  	[dreg:$0x1] =	wrdreg $0xFFFFFFFF  }
0xad: {  	[dreg:$0x0] =	wrdreg $0x60  }
0xae: {  	[dreg:$0x2] =	wrdreg s24  }
0xaf: {  	[dreg:$0x3] =	wrdreg s2  }
0xb0: {  	[dreg:$0x4] =	wrdreg $0x0  }
0xb1: {  	[dreg:$0x5] =	wrdreg $0x9  }
0xb2: {  	_ =	task.clear_ibuf [dreg:s7], $0x6FFFF;
	_ =	strace $0x90000046  }
0xb3: {  	s29 =	simm.s32 $0x9;
	_ =	strace $0x80000048  }
0xb4: {  	_ =	swait.ge [sflag:s29], $0x1  }
0xb5: {  	[sflag:s29] =	ssyncadd.s32 $0xFFFFFFFF  }
0xb6: {  	_ =	strace $0x90000048  }
0xb7: {  	_ =	sfence  }
0xb8: {  	s30 =	sld [smem:$0x0];
	_ =	sdelay $0x2  }
0xb9: {  	s31 =	sshll.u32 s1, $0xD;
	s1 =	sshrl.u32 s1, $0x2  }
0xba: {  	s3 =	sand.u32 $0x4000, s31;
	s1 =	sadd.s32 s1, s30  }
0xbb: {  	s0 =	sor.u32 s3, s0;
	s1 =	sshll.u32 s1, $0x11  }
0xbc: {  	s0 =	sor.u32 s1, s0  }
0xbd: {  	s0 =	sadd.s32 $0x8F2B, s0  }
0xbe: {  	[sflag:s0] =	ssyncadd.remote.s32 $0x1  }
0xbf: {  	_ =	sfence.sel $0xFFFF  }
0xc0: {  	[dreg:$0x0] =	wrdreg $0xFFFFFFFF;
	(pc) =	sbr.abs _section_cstart, $3  }
0xc1: {  	[dreg:$0x1] =	wrdreg $0xFFFFFFFF  }
0xc2: {  	_ =	task.clear_ibuf [dreg:s7], $0x2FFFF;
	_ =	strace $0x9FFFFFFF  }
0xc3: {  	(tm) =	ssettm $0x7FFFFFFF  }
tec
execute0_lowered:
.L_overlay_start_1:
0x0: {  	(tag) =	ssettag $0x1  }
0x1: {  	s0 =	rddreg [dreg:$0x0]  }
0x2: {  	s3 =	rddreg [dreg:$0x1]  }
0x3: {  	s1 =	rddreg [dreg:$0x2];
	s2 =	simm.s32 $0x0  }
0x4: {  	s4 =	srdreg.scid;
	s6 =	stileid.u32;
	s22 =	simm.s32 $0x140  }
0x5: {  	s23 =	simm.s32 $0x25C0;
	s24 =	simm.s32 $0x1C0;
	s25 =	simm.s32 $0x45C0  }
0x6: {  	s26 =	simm.s32 $0x240;
	[smem:$0x7FF] =	sst s2;
	s8 =	sadd.s32 $0x800, s0  }
0x7: {  	s28 =	simm.s32 $0x65C0;
	_ =	strace $0x80000047;
	[dreg:$0xe] =	wrdreg s8  }
0x8: {  	s29 =	simm.s32 $0x2C0;
	s31 =	simm.s32 $0x85C0;
	[dreg:$0x6] =	wrdreg s22  }
0x9: {  	s30 =	simm.s32 $0x0;
	s4 =	sand.u32 $0x1, s4;
	[dreg:$0x7] =	wrdreg s23  }
0xa: {  	s5 =	sshll.u32 s6, $0x1;
	s7 =	smul.u32 $0x640, s6;
	[dreg:$0x8] =	wrdreg s24  }
0xb: {  	s0 =	sadd.s32 $0xA00, s0;
	s12 =	smul.u32 $0x32000, s6;
	[dreg:$0x9] =	wrdreg s25  }
0xc: {  	s20 =	smul.u32 $0x190000, s6;
	p0 =	sne.s32 s6, $0x0;
	[dreg:$0xa] =	wrdreg s26  }
0xd: {  	s5 =	sor.u32 s4, s5;
	s11 =	smul.u32 $0x320, s4;
	[dreg:$0xb] =	wrdreg s28  }
0xe: {  	s9 =	ssub.s32 $0x2, s4;
	s14 =	smul.u32 $0x19000, s4;
	[dreg:$0xc] =	wrdreg s29  }
0xf: {  	s21 =	smul.u32 $0xC8000, s4;
	[dreg:$0xd] =	wrdreg s31;
	s22 =	simm.s32 $0x4C0  }
0x10: {  	s23 =	simm.s32 $0x105C0;
	s24 =	simm.s32 $0x540;
	s25 =	simm.s32 $0x125C0  }
0x11: {  	s26 =	simm.s32 $0x4;
	s5 =	smul.u32 $0x3200, s5;
	s10 =	sshrl.u32 s9, $0x1  }
0x12: {  	s7 =	sadd.s32 s11, s7;
	s9 =	ssub.s32 s9, s10;
	s10 =	simm.s32 $0xC0  }
0x13: {  	s11 =	sadd.s32 s0, s5;
	s13 =	sshll.u32 s7, $0x4;
	s16 =	smax.u32 s9, $0x1  }
0x14: {  	s7 =	sadd.s32 s14, s12;
	s12 =	simm.s32 $0x1;
	s14 =	simm.s32 $0x5C0  }
0x15: {  	[dreg:$0xf] =	wrdreg s11;
	s15 =	sadd.s32 $0x50, s11;
	s0 =	sadd.s32 s13, s0  }
0x16: {  	[dreg:$0x11] =	wrdreg s16;
	s18 =	sshll.u32 s7, $0x3;
	s11 =	simm.s32 $0x340  }
0x17: {  	s13 =	simm.s32 $0x80;
	s16 =	simm.s32 $0x2;
	[dreg:$0x10] =	wrdreg s15  }
0x18: {  	s17 =	sadd.s32 $0xF0, s0;
	s0 =	sadd.s32 $0xA0, s0;
	s19 =	sadd.s32 s18, s3  }
0x19: {  	s3 =	sadd.s32 s20, s3;
	s15 =	simm.s32 $0x3;
	[dreg:$0x4] =	wrdreg s17  }
0x1a: {  	s18 =	simm.s32 $0x3C0;
	[dreg:$0x5] =	wrdreg s0;
	s0 =	sadd.s32 $0x1400, s19  }
0x1b: {  	s20 =	simm.s32 $0x440;
	[dreg:$0x12] =	wrdreg s0;
	s0 =	sadd.s32 s21, s3  }
0x1c: {  	s17 =	simm.s32 $0xA5C0;
	s3 =	sshrl.u32 @!p0 s1, $0x3;
	[dreg:$0x13] =	wrdreg s0  }
0x1d: {  	s19 =	simm.s32 $0xC5C0;
	s21 =	simm.s32 $0xE5C0;
	[dreg:$0x14] =	wrdreg s3  }
.LBB2_1:
0x1e: {  	s3 =	rddreg [dreg:$0xe]  }
0x1f: {  	s0 =	simm.s32 @!p0 $0x1C07;
	s4 =	rddreg [dreg:$0x14]  }
0x20: {  	[spmem:s4], [sflag:s0] =	dma.local @!p0 [hbm:s3], $0x180  }
0x21: {  	s0 =	simm.s32 @!p0 $0x7  }
0x22: {  	_ =	swait.ge @!p0 [sflag:s0], $0x180  }
0x23: {  	[sflag:s0] =	ssyncset.done @!p0 $0x0  }
0x24: {  	[sflag:s0] =	ssyncadd.s32 @!p0 $0xFFFFFE80  }
0x25: {  	[bflag:$0x0] =	sbarrier.arrive $0xFFFF  }
0x26: {  	s28 =	rddreg [dreg:$0xf]  }
0x27: {  	[tilespmem:s10], [sflag:$0x1] =	stream.linear.gather [hbm4b:s28+s2], $0x280, $0x38;
	[tilespmem:$0x145C0] =	vst v63  }
0x28: {  	s29 =	rddreg [dreg:$0x10]  }
0x29: {  	[tilespmem:s11], [sflag:$0x2] =	stream.linear.gather [hbm4b:s29+s2], $0x280, $0x38;
	[tilespmem:$0x145C0] =	vst v63  }
0x2a: {  	_ =	swait.ge [sflag:s12], $0x280  }
0x2b: {  	p1 =	por $0x1, $0x1;
	[sflag:s12] =	ssyncset.done $0x0  }
0x2c: {  	s0 =	simm.s32 @!p1 $0x5;
	[sflag:s12] =	ssyncadd.s32 $0xFFFFFD80  }
0x2d: {  	_ =	swait.ge @!p1 [sflag:s0], $0xA000  }
0x2e: {  	s3 =	rddreg [dreg:$0xd]  }
0x2f: {  	s6 =	rddreg [dreg:$0xa]  }
0x30: {  	s7 =	rddreg [dreg:$0x8];
	[sflag:s0] =	ssyncset.done @!p1 $0x0  }
0x31: {  	s8 =	rddreg [dreg:$0x6];
	[sflag:s0] =	ssyncadd.s32 @!p1 $0xFFFF6000  }
0x32: {  	[tilespmem:s14], [sflag:$0x3] =	stream.indirect.gather [spmem:s1], $0x40, s10, s13, $0xb8;
	[tilespmem:$0x145C0] =	vst v63  }
0x33: {  	s5 =	rddreg [dreg:$0x7]  }
0x34: {  	[tilespmem:s5], [sflag:$0x3] =	stream.indirect.gather [spmem:s1], $0x40, s8, s13, $0xb8;
	[tilespmem:$0x145C0] =	vst v63  }
0x35: {  	s9 =	rddreg [dreg:$0x9]  }
0x36: {  	[tilespmem:s9], [sflag:$0x3] =	stream.indirect.gather [spmem:s1], $0x40, s7, s13, $0xb8;
	[tilespmem:$0x145C0] =	vst v63  }
0x37: {  	s28 =	rddreg [dreg:$0xb]  }
0x38: {  	[tilespmem:s28], [sflag:$0x3] =	stream.indirect.gather [spmem:s1], $0x40, s6, s13, $0xb8;
	[tilespmem:$0x145C0] =	vst v63  }
0x39: {  	s29 =	rddreg [dreg:$0xc]  }
0x3a: {  	[tilespmem:s3], [sflag:$0x3] =	stream.indirect.gather [spmem:s1], $0x40, s29, s13, $0xb8;
	[tilespmem:$0x145C0] =	vst v63  }
0x3b: {  	_ =	swait.ge [sflag:s15], $0x2000  }
0x3c: {  	[sflag:s15] =	ssyncset.done $0x0  }
0x3d: {  	[sflag:s15] =	ssyncadd.s32 $0xFFFFE000  }
0x3e: {  	_ =	swait.ge [sflag:s15], $0x2000  }
0x3f: {  	[sflag:s15] =	ssyncset.done $0x0  }
0x40: {  	[sflag:s15] =	ssyncadd.s32 $0xFFFFE000  }
0x41: {  	_ =	swait.ge [sflag:s15], $0x2000  }
0x42: {  	[sflag:s15] =	ssyncset.done $0x0  }
0x43: {  	[sflag:s15] =	ssyncadd.s32 $0xFFFFE000  }
0x44: {  	_ =	swait.ge [sflag:s15], $0x2000  }
0x45: {  	[sflag:s15] =	ssyncset.done $0x0  }
0x46: {  	[sflag:s15] =	ssyncadd.s32 $0xFFFFE000  }
0x47: {  	p2 =	por $0x0, $0x0;
	_ =	swait.ge [sflag:s15], $0x2000  }
0x48: {  	s4 =	simm.s32 @!p2 $0x0;
	s0 =	rddreg [dreg:$0x5];
	[sflag:s15] =	ssyncset.done $0x0  }
0x49: {  	s6 =	simm.s32 @!p2 $0xC0;
	[sflag:s15] =	ssyncadd.s32 $0xFFFFE000;
	s0 =	sadd.s32 @!p2 $0x0, s0  }
0x4a: {  	[tilespmem:s6], [sflag:$0x1] =	stream.linear.gather @!p2 [hbm4b:s0+s4], $0x280, $0x38;
	[tilespmem:$0x145C0] =	vst v63  }
0x4b: {  	s8 =	rddreg [dreg:$0x13]  }
0x4c: {  	[hbm4b:s8+s2] =	stream.linear.scatter [tilespmem:s14], [sflag:$0x5], $0xA000, $0x38;
	[tilespmem:$0x145C0] =	vst v63  }
0x4d: {  	_ =	swait.ge [sflag:s16], $0x280  }
0x4e: {  	[sflag:s16] =	ssyncset.done $0x0  }
0x4f: {  	s0 =	simm.s32 @!p1 $0x6;
	[sflag:s16] =	ssyncadd.s32 $0xFFFFFD80  }
0x50: {  	_ =	swait.ge @!p1 [sflag:s0], $0xA000  }
0x51: {  	[sflag:s0] =	ssyncset.done @!p1 $0x0  }
0x52: {  	[sflag:s0] =	ssyncadd.s32 @!p1 $0xFFFF6000  }
0x53: {  	[tilespmem:s17], [sflag:$0x4] =	stream.indirect.gather [spmem:s1], $0x40, s11, s13, $0xb8;
	[tilespmem:$0x145C0] =	vst v63  }
0x54: {  	_ = 	snop  }
0x55: {  	[tilespmem:s19], [sflag:$0x4] =	stream.indirect.gather [spmem:s1], $0x40, s18, s13, $0xb8;
	[tilespmem:$0x145C0] =	vst v63  }
0x56: {  	_ = 	snop  }
0x57: {  	[tilespmem:s21], [sflag:$0x4] =	stream.indirect.gather [spmem:s1], $0x40, s20, s13, $0xb8;
	[tilespmem:$0x145C0] =	vst v63  }
0x58: {  	_ = 	snop  }
0x59: {  	[tilespmem:s23], [sflag:$0x4] =	stream.indirect.gather [spmem:s1], $0x40, s22, s13, $0xb8;
	[tilespmem:$0x145C0] =	vst v63  }
0x5a: {  	_ = 	snop  }
0x5b: {  	[tilespmem:s25], [sflag:$0x4] =	stream.indirect.gather [spmem:s1], $0x40, s24, s13, $0xb8;
	[tilespmem:$0x145C0] =	vst v63  }
0x5c: {  	_ =	swait.ge [sflag:s26], $0x2000  }
0x5d: {  	[sflag:s26] =	ssyncset.done $0x0  }
0x5e: {  	[sflag:s26] =	ssyncadd.s32 $0xFFFFE000  }
0x5f: {  	_ =	swait.ge [sflag:s26], $0x2000  }
0x60: {  	[sflag:s26] =	ssyncset.done $0x0  }
0x61: {  	[sflag:s26] =	ssyncadd.s32 $0xFFFFE000  }
0x62: {  	_ =	swait.ge [sflag:s26], $0x2000  }
0x63: {  	[sflag:s26] =	ssyncset.done $0x0  }
0x64: {  	[sflag:s26] =	ssyncadd.s32 $0xFFFFE000  }
0x65: {  	_ =	swait.ge [sflag:s26], $0x2000  }
0x66: {  	[sflag:s26] =	ssyncset.done $0x0  }
0x67: {  	[sflag:s26] =	ssyncadd.s32 $0xFFFFE000  }
0x68: {  	s31 =	simm.s32 $0xA0;
	_ =	swait.ge [sflag:s26], $0x2000  }
0x69: {  	s6 =	simm.s32 $0x0;
	[sflag:s26] =	ssyncset.done $0x0;
	s0 =	rddreg [dreg:$0x12]  }
0x6a: {  	s9 =	rddreg [dreg:$0x4];
	[sflag:s26] =	ssyncadd.s32 $0xFFFFE000;
	s7 =	smov.u32 s0  }
.LBB2_2:
0x6b: {  	s6 =	sadd.s32 @!p2 s6, s9;
	s9 =	simm.s32 @!p2 $0x340  }
0x6c: {  	[tilespmem:s9], [sflag:$0x2] =	stream.linear.gather @!p2 [hbm4b:s6+s4], $0x280, $0x38;
	[tilespmem:$0x145C0] =	vst v63  }
0x6d: {  	s28 =	smov.u32 s31  }
0x6e: {  	[hbm4b:s0+s2] =	stream.linear.scatter [tilespmem:s17], [sflag:$0x6], $0xA000, $0x38;
	[tilespmem:$0x145C0] =	vst v63  }
0x6f: {  	s6 =	smov.u32 s28;
	_ =	swait.ge [sflag:s12], $0x280  }
0x70: {  	p3 =	seq.s32 s6, $0x0;
	[sflag:s12] =	ssyncset.done $0x0  }
0x71: {  	s4 =	simm.s32 @!p3 $0x5;
	[sflag:s12] =	ssyncadd.s32 $0xFFFFFD80  }
0x72: {  	_ =	swait.ge @!p3 [sflag:s4], $0xA000  }
0x73: {  	s9 =	rddreg [dreg:$0xd]  }
0x74: {  	s28 =	rddreg [dreg:$0xa]  }
0x75: {  	[sflag:s4] =	ssyncset.done @!p3 $0x0;
	s29 =	rddreg [dreg:$0x8]  }
0x76: {  	s5 =	rddreg [dreg:$0x7];
	[sflag:s4] =	ssyncadd.s32 @!p3 $0xFFFF6000  }
0x77: {  	[tilespmem:s14], [sflag:$0x3] =	stream.indirect.gather [spmem:s1], $0x40, s10, s13, $0xb8;
	[tilespmem:$0x145C0] =	vst v63  }
0x78: {  	s4 =	rddreg [dreg:$0x6]  }
0x79: {  	[tilespmem:s5], [sflag:$0x3] =	stream.indirect.gather [spmem:s1], $0x40, s4, s13, $0xb8;
	[tilespmem:$0x145C0] =	vst v63  }
0x7a: {  	s3 =	rddreg [dreg:$0x9]  }
0x7b: {  	[tilespmem:s3], [sflag:$0x3] =	stream.indirect.gather [spmem:s1], $0x40, s29, s13, $0xb8;
	[tilespmem:$0x145C0] =	vst v63  }
0x7c: {  	s5 =	rddreg [dreg:$0xb]  }
0x7d: {  	[tilespmem:s5], [sflag:$0x3] =	stream.indirect.gather [spmem:s1], $0x40, s28, s13, $0xb8;
	[tilespmem:$0x145C0] =	vst v63  }
0x7e: {  	s29 =	rddreg [dreg:$0xc]  }
0x7f: {  	[tilespmem:s9], [sflag:$0x3] =	stream.indirect.gather [spmem:s1], $0x40, s29, s13, $0xb8;
	[tilespmem:$0x145C0] =	vst v63  }
0x80: {  	_ =	swait.ge [sflag:s15], $0x2000  }
0x81: {  	[sflag:s15] =	ssyncset.done $0x0  }
0x82: {  	[sflag:s15] =	ssyncadd.s32 $0xFFFFE000  }
0x83: {  	_ =	swait.ge [sflag:s15], $0x2000  }
0x84: {  	[sflag:s15] =	ssyncset.done $0x0  }
0x85: {  	[sflag:s15] =	ssyncadd.s32 $0xFFFFE000  }
0x86: {  	_ =	swait.ge [sflag:s15], $0x2000  }
0x87: {  	[sflag:s15] =	ssyncset.done $0x0  }
0x88: {  	[sflag:s15] =	ssyncadd.s32 $0xFFFFE000  }
0x89: {  	_ =	swait.ge [sflag:s15], $0x2000  }
0x8a: {  	[sflag:s15] =	ssyncset.done $0x0  }
0x8b: {  	[sflag:s15] =	ssyncadd.s32 $0xFFFFE000  }
0x8c: {  	p2 =	seq.s32 s6, $0x3160;
	_ =	swait.ge [sflag:s15], $0x2000  }
0x8d: {  	s4 =	simm.s32 @!p2 $0x0;
	s3 =	rddreg [dreg:$0x5];
	[sflag:s15] =	ssyncset.done $0x0  }
0x8e: {  	s5 =	simm.s32 @!p2 $0xC0;
	[sflag:s15] =	ssyncadd.s32 $0xFFFFE000;
	s3 =	sadd.s32 @!p2 s6, s3  }
0x8f: {  	[tilespmem:s5], [sflag:$0x1] =	stream.linear.gather @!p2 [hbm4b:s3+s4], $0x280, $0x38;
	[tilespmem:$0x145C0] =	vst v63  }
0x90: {  	s8 =	sadd.s32 $0x2800, s8  }
0x91: {  	[hbm4b:s8+s2] =	stream.linear.scatter [tilespmem:s14], [sflag:$0x5], $0xA000, $0x38;
	[tilespmem:$0x145C0] =	vst v63  }
0x92: {  	_ =	swait.ge [sflag:s16], $0x280  }
0x93: {  	[sflag:s16] =	ssyncset.done $0x0  }
0x94: {  	s3 =	simm.s32 @!p3 $0x6;
	[sflag:s16] =	ssyncadd.s32 $0xFFFFFD80  }
0x95: {  	_ =	swait.ge @!p3 [sflag:s3], $0xA000  }
0x96: {  	[sflag:s3] =	ssyncset.done @!p3 $0x0  }
0x97: {  	[sflag:s3] =	ssyncadd.s32 @!p3 $0xFFFF6000  }
0x98: {  	[tilespmem:s17], [sflag:$0x4] =	stream.indirect.gather [spmem:s1], $0x40, s11, s13, $0xb8;
	[tilespmem:$0x145C0] =	vst v63  }
0x99: {  	_ = 	snop  }
0x9a: {  	[tilespmem:s19], [sflag:$0x4] =	stream.indirect.gather [spmem:s1], $0x40, s18, s13, $0xb8;
	[tilespmem:$0x145C0] =	vst v63  }
0x9b: {  	_ = 	snop  }
0x9c: {  	[tilespmem:s21], [sflag:$0x4] =	stream.indirect.gather [spmem:s1], $0x40, s20, s13, $0xb8;
	[tilespmem:$0x145C0] =	vst v63  }
0x9d: {  	_ = 	snop  }
0x9e: {  	[tilespmem:s23], [sflag:$0x4] =	stream.indirect.gather [spmem:s1], $0x40, s22, s13, $0xb8;
	[tilespmem:$0x145C0] =	vst v63  }
0x9f: {  	_ = 	snop  }
0xa0: {  	[tilespmem:s25], [sflag:$0x4] =	stream.indirect.gather [spmem:s1], $0x40, s24, s13, $0xb8;
	[tilespmem:$0x145C0] =	vst v63  }
0xa1: {  	_ =	swait.ge [sflag:s26], $0x2000  }
0xa2: {  	[sflag:s26] =	ssyncset.done $0x0  }
0xa3: {  	[sflag:s26] =	ssyncadd.s32 $0xFFFFE000  }
0xa4: {  	_ =	swait.ge [sflag:s26], $0x2000  }
0xa5: {  	[sflag:s26] =	ssyncset.done $0x0  }
0xa6: {  	[sflag:s26] =	ssyncadd.s32 $0xFFFFE000  }
0xa7: {  	_ =	swait.ge [sflag:s26], $0x2000  }
0xa8: {  	[sflag:s26] =	ssyncset.done $0x0  }
0xa9: {  	s31 =	sadd.s32 $0xA0, s31;
	[sflag:s26] =	ssyncadd.s32 $0xFFFFE000  }
0xaa: {  	p1 =	sne.s32 s31, $0x3200;
	_ =	swait.ge [sflag:s26], $0x2000  }
.Ltmp0:
0xab: {  	[sflag:s26] =	ssyncset.done $0x0;
	(pc) =	sbr.rel @p1 .LBB2_2-.Ltmp0, $4  }
0xac: {  	[sflag:s26] =	ssyncadd.s32 $0xFFFFE000  }
0xad: {  	_ =	swait.ge [sflag:s26], $0x2000  }
0xae: {  	s7 =	sadd.s32 $0x2800, s7;
	[sflag:s26] =	ssyncset.done $0x0  }
0xaf: {  	s0 =	smov.u32 s7;
	s9 =	rddreg [dreg:$0x4];
	[sflag:s26] =	ssyncadd.s32 $0xFFFFE000  }
0xb0: {  	s3 =	sadd.s32 @!p2 s6, s9;
	s5 =	simm.s32 @!p2 $0x340  }
0xb1: {  	[tilespmem:s5], [sflag:$0x2] =	stream.linear.gather @!p2 [hbm4b:s3+s4], $0x280, $0x38;
	[tilespmem:$0x145C0] =	vst v63  }
0xb2: {  	s28 =	simm.s32 $0x5  }
0xb3: {  	[hbm4b:s0+s2] =	stream.linear.scatter [tilespmem:s17], [sflag:$0x6], $0xA000, $0x38;
	[tilespmem:$0x145C0] =	vst v63  }
0xb4: {  	_ =	swait.ge [sflag:s28], $0xA000  }
0xb5: {  	[sflag:s28] =	ssyncset.done $0x0  }
0xb6: {  	s29 =	simm.s32 $0x6;
	[sflag:s28] =	ssyncadd.s32 $0xFFFF6000  }
0xb7: {  	_ =	swait.ge [sflag:s29], $0xA000  }
0xb8: {  	s30 =	sadd.s32 $0x1, s30;
	s31 =	rddreg [dreg:$0x11]  }
0xb9: {  	p1 =	sne.s32 s30, s31  }
.Ltmp1:
0xba: {  	_ = 	snop;
	(pc) =	sbr.rel @p1 .LBB2_1-.Ltmp1, $3  }
0xbb: {  	_ =	sdelay $0x1  }
0xbc: {  	[sflag:s29] =	ssyncset.done $0x0  }
0xbd: {  	[sflag:s29] =	ssyncadd.s32 $0xFFFF6000  }
0xbe: {  	_ =	sfence.sel $0x180000  }
0xbf: {  	[bflag:$0x0] =	sbarrier.arrive $0xFFFF  }
0xc0: {  	_ =	strace $0x90000047  }
0xc1: {  	[bflag:$0x2] =	sbarrier.arrive $0xFFFF  }
0xc2: {  	s0 =	rddreg [dreg:$0x3]  }
0xc3: {  	s0 =	sadd.s32 @!p0 $0x100000, s0  }
0xc4: {  	[sflag:s0] =	ssyncadd.tile.s32 @!p0 $0x1;
	_ =	shalt  }
.Lfunc_end2:
_tile_overlayer_lowered:
.L_overlay_start_2:
0xc5: {  	(tag) =	ssettag $0x2  }
0xc6: {  	s0 =	rddreg [dreg:$0x0];
	s2 =	stileid.u32  }
0xc7: {  	s1 =	rddreg [dreg:$0x1];
	p0 =	sne.s32 s2, $0x0  }
0xc8: {  	s3 =	rddreg [dreg:$0x2];
	[bflag:$0x3] =	sbarrier.arrive $0xFFFF;
	s2 =	simm.s32 @!p0 $0x1C07  }
0xc9: {  	[timem:s3], [sflag:s2] =	dma.local @!p0 [hbm:s0], s1  }
0xca: {  	s0 =	simm.s32 @!p0 $0x7  }
0xcb: {  	_ =	swait.ge @!p0 [sflag:s0], s1  }
0xcc: {  	s1 =	ssub.s32 @!p0 $0x0, s1;
	[sflag:s0] =	ssyncset.done @!p0 $0x0  }
0xcd: {  	[sflag:s0] =	ssyncadd.s32 @!p0 s1  }
0xce: {  	[bflag:$0x3] =	sbarrier.arrive $0xFFFF  }
0xcf: {  	_ =	shalt  }

// kernel: sparse-core-data-format-call.cloned.1.call-start
scs
called_computation_lowered:
.L_overlay_start_0:
0x0: {  	s2 =	sld [smem:$0x3FD9]  }
0x1: {  	s3 =	sld [smem:$0x3FFE];
	_ =	sdelay $0x1  }
0x2: {  	s1 =	srdreg.scid  }
0x3: {  	s0 =	sand.u32 $0x1, s1  }
0x4: {  	s18 =	sshll.u32 s0, $0xA;
	s2 =	sadd.s32 s3, s2  }
0x5: {  	s2 =	sadd.s32 s2, s18  }
0x6: {  	[smem:$0x3FC6] =	sst s2  }
0x7: {  	_ = 	snop  }
0x8: {  	s2 =	sld [smem:$0x3FD0];
	(tm) =	ssettm $0x1  }
0x9: {  	s19 =	sld [smem:$0x3FFB];
	_ =	sdelay $0x3  }
0xa: {  	_ =	strace s19  }
0xb: {  	s3 =	sld [smem:$0x3FFC];
	_ =	sdelay $0x3  }
0xc: {  	_ =	strace s3  }
0xd: {  	s3 =	sld [smem:$0x3FFD];
	_ =	sdelay $0x3  }
0xe: {  	_ =	strace s3  }
0xf: {  	_ =	strace $0x8FFFFFFF  }
0x10: {  	s20 =	sld [smem:$0x3FDB];
	_ =	sdelay $0x1  }
0x11: {  	s4 =	simm.s32 $_scs_section_size  }
0x12: {  	s5 =	simm.s32 $_size__tile_overlayer_lowered;
	s6 =	simm.s32 $_tile_overlayer_lowered  }
0x13: {  	s23 =	simm.s32 $0x1BFF;
	s22 =	sshll.u32 s6, $0x1;
	s3 =	sadd.s32 s4, s20  }
0x14: {  	s7 =	simm.s32 $0x0;
	s21 =	sshll.u32 s5, $0x1;
	s5 =	sadd.s32 s22, s3  }
0x15: {  	[timem:s7], [sflag:s23] =	dma.local [hbm:s5], s21  }
0x16: {  	_ =	swait.ge [sflag:s23], s21  }
0x17: {  	s4 =	ssub.s32 $0x0, s21;
	[sflag:s23] =	ssyncset.done $0x0  }
0x18: {  	[sflag:s23] =	ssyncadd.s32 s4;
	_ =	sdelay $0x1  }
0x19: {  	s24 =	simm.s32 $0x1B8B  }
0x1a: {  	_ =	swait.ge [sflag:s24], $0x1  }
0x1b: {  	[sflag:s24] =	ssyncset.done $0x0  }
0x1c: {  	s26 =	simm.s32 $0x1B8E;
	s25 =	sld [smem:$0x3FFE];
	[sflag:s24] =	ssyncadd.s32 $0xFFFFFFFF  }
0x1d: {  	s27 =	simm.s32 $execute0_lowered;
	[smem:$0x3FD2] =	sst s26  }
0x1e: {  	s5 =	sshll.u32 s27, $0x1;
	_ =	strace $0x80000049;
	[dreg:$0x1] =	wrdreg $0xFFFFFFFF  }
0x1f: {  	s28 =	simm.s32 $_size_execute0_lowered;
	s3 =	sadd.s32 s3, s5;
	[dreg:$0x0] =	wrdreg $0x0  }
0x20: {  	s5 =	sshll.u32 s28, $0x1;
	[dreg:$0x2] =	wrdreg s3  }
0x21: {  	[dreg:$0x3] =	wrdreg s5  }
0x22: {  	[dreg:$0x4] =	wrdreg $0xC0  }
0x23: {  	_ =	task [dreg:s7], $0x5FFFF  }
0x24: {  	[dreg:$0x1] =	wrdreg $0xFFFFFFFF  }
0x25: {  	[dreg:$0x0] =	wrdreg $0x60  }
0x26: {  	[dreg:$0x2] =	wrdreg s25  }
0x27: {  	[dreg:$0x3] =	wrdreg s2  }
0x28: {  	[dreg:$0x4] =	wrdreg $0x9  }
0x29: {  	_ =	task.clear_ibuf [dreg:s7], $0x5FFFF;
	_ =	strace $0x90000049  }
0x2a: {  	s29 =	simm.s32 $0x9;
	_ =	strace $0x8000004B  }
0x2b: {  	_ =	swait.ge [sflag:s29], $0x1  }
0x2c: {  	[sflag:s29] =	ssyncadd.s32 $0xFFFFFFFF  }
0x2d: {  	_ =	strace $0x9000004B  }
0x2e: {  	_ =	sfence  }
0x2f: {  	s30 =	sld [smem:$0x0];
	_ =	sdelay $0x2  }
0x30: {  	s31 =	sshll.u32 s1, $0xD;
	s1 =	sshrl.u32 s1, $0x2  }
0x31: {  	s3 =	sand.u32 $0x4000, s31;
	s1 =	sadd.s32 s1, s30  }
0x32: {  	s0 =	sor.u32 s3, s0;
	s1 =	sshll.u32 s1, $0x11  }
0x33: {  	s0 =	sor.u32 s1, s0  }
0x34: {  	s0 =	sadd.s32 $0x8F2B, s0  }
0x35: {  	[sflag:s0] =	ssyncadd.remote.s32 $0x1  }
0x36: {  	_ =	sfence.sel $0xFFFF  }
0x37: {  	[dreg:$0x0] =	wrdreg $0xFFFFFFFF;
	(pc) =	sbr.abs _section_cstart, $3  }
0x38: {  	[dreg:$0x1] =	wrdreg $0xFFFFFFFF  }
0x39: {  	_ =	task.clear_ibuf [dreg:s7], $0x2FFFF;
	_ =	strace $0x9FFFFFFF  }
0x3a: {  	(tm) =	ssettm $0x7FFFFFFF  }
0x3b: {  	_ =	shalt  }
tec
execute0_lowered:
.L_overlay_start_1:
0x0: {  	(tag) =	ssettag $0x1  }
0x1: {  	s0 =	srdreg.scid  }
0x2: {  	s1 =	sshll.u32 s0, $0x4  }
0x3: {  	s0 =	stileid.u32;
	s1 =	sand.u32 $0x10, s1  }
0x4: {  	s1 =	sor.u32 s0, s1  }
0x5: {  	s6 =	rddreg [dreg:$0x0];
	s4 =	simm.s32 $0x1;
	s2 =	sshll.u32 s1, $0x7  }
0x6: {  	s7 =	simm.s32 $0x2;
	s12 =	simm.s32 $0x0;
	s1 =	ssub.s32 $0x4000, s2  }
0x7: {  	s8 =	simm.s32 $0x20000;
	s13 =	simm.s32 $0x0;
	s3 =	sand.u32 $0xF80, s1  }
0x8: {  	s9 =	simm.s32 $0x0;
	s5 =	sshrl.u32 s1, $0xC;
	p0 =	sne.s32 s3, $0x0  }
.Ltmp0:
0x9: {  	s1 =	rddreg [dreg:$0x2];
	s4 =	simm.s32 @!p0 $0x0;
	(pc) =	sbr.rel .LBB1_1-.Ltmp0, $4  }
0xa: {  	s11 =	simm.s32 $0x0;
	s3 =	rddreg [dreg:$0x1];
	s5 =	sadd.s32 s4, s5  }
0xb: {  	_ =	strace $0x8000004A;
	s4 =	simm.s32 $0x1;
	s5 =	smul.u32 $0xC8, s5  }
0xc: {  	s6 =	sadd.s32 $0x800, s6;
	s10 =	smov.u32 s2;
	[sflag:s4] =	ssyncpa.u1 $0x0  }
0xd: {  	p0 =	por $0x0, $0x0;
	[sflag:s7] =	ssyncpa.u1 $0x0;
	s7 =	sor.u32 $0x1, s5  }
.LBB1_4:
0xe: {  	s16 =	sshll.u32 s13, $0x3;
	s17 =	sand.u32 $0x78, s13  }
0xf: {  	s30 =	sand.u32 $0x1F800, s13;
	s12 =	sshll.u32 s12, $0x11;
	s16 =	sand.u32 $0x3C00, s16  }
0x10: {  	[tilespmem:s15+$0x810 ss:$0x81] =	vst.msk $0xffff, v2;
	s31 =	sand.u32 $0x7, s13;
	s16 =	sor.u32 s17, s16;
	s17 =	sadd.s32 s3, s30  }
0x11: {  	[tilespmem:s15+$0x1020 ss:$0x81] =	vst.msk $0xffff, v0;
	s13 =	sshll.u32 s31, $0x12;
	s12 =	sadd.s32 s12, s17;
	s16 =	sshrl.u32 s16, $0x3  }
0x12: {  	[tilespmem:s15+$0x0 ss:$0x81] =	vst.msk $0xffff, v1;
	s13 =	sor.u32 $0x400, s13;
	s12 =	sadd.s32 s16, s12  }
0x13: {  	[hbm4b:s12+s13] =	stream.strided.scatter [tilespmem:s14], [sflag:$0x2], $0x2000, s8, s13, $0x20;
	[tilespmem:$0x8080] =	vst v63  }
.LBB1_5:
0x14: {  	s14 =	sadd.s32 $0x1, s9  }
0x15: {  	s12 =	sadd.s32 $0x1000, s10;
	s16 =	smov.u32 s10;
	p2 =	sgt.s32 s14, $0xC7  }
0x16: {  	s16 =	smov.u32 @p2 s12  }
0x17: {  	s14 =	simm.s32 @p2 $0x0;
	p2 =	sgt.s32 s16, $0x3FFF  }
0x18: {  	s16 =	smov.u32 @p2 s2;
	p2 =	sne.s32 s11, s7  }
.Ltmp1:
0x19: {  	p1 =	slt.u32 s11, $0x2;
	(pc) =	sbr.rel @!p2 .LBB1_6-.Ltmp1, $4  }
0x1a: {  	s15 =	simm.s32 @!p1 $0x2  }
0x1b: {  	s13 =	smov.u32 s10;
	p0 =	por !p0, !p0;
	_ =	swait.ge @!p1 [sflag:s15], $0x2000  }
0x1c: {  	s12 =	smov.u32 s9;
	[sflag:s15] =	ssyncset.done @!p1 $0x0;
	s9 =	smov.u32 s14  }
0x1d: {  	s11 =	sadd.s32 $0x1, s11;
	[sflag:s15] =	ssyncadd.s32 @!p1 $0xFFFFE000;
	s10 =	smov.u32 s16  }
.LBB1_1:
0x1e: {  	p1 =	sge.u32 s11, s5  }
0x1f: {  	s14 =	sand.u32 @!p1 $0x1FFFFFF, s9  }
0x20: {  	s15 =	smulhi.u32 @!p1 $0x147AE15, s14;
	_ =	sdelay $0x1  }
0x21: {  	s15 =	smul.u32 @!p1 $0xC8, s15  }
0x22: {  	s16 =	sxor.u32 @!p1 $0xFFFFFFFF, s11;
	s17 =	smul.u32 @!p1 $0xC80, s10  }
0x23: {  	s31 =	sadd.s32 $0xFFFFFFFF, s11;
	s16 =	sshll.u32 @!p1 s16, $0xD;
	s14 =	ssub.s32 @!p1 s14, s15  }
0x24: {  	s15 =	sand.u32 @!p1 $0x2000, s16;
	s16 =	sadd.s32 @!p1 s6, s17;
	s14 =	sshll.u32 @!p1 s14, $0x4  }
0x25: {  	s17 =	simm.s32 @!p1 $0x6400;
	s14 =	sadd.s32 @!p1 s14, s16;
	s16 =	simm.s32 @!p1 $0x40  }
0x26: {  	[tilespmem:s15], [sflag:$0x1] =	stream.strided.gather @!p1 [hbm4b:s14+s16], $0x2000, s17, s16, $0x38;
	[tilespmem:$0x8080] =	vst v63  }
0x27: {  	p1 =	sge.u32 s31, s5  }
.Ltmp2:
0x28: {  	_ = 	snop;
	(pc) =	sbr.rel @p1 .LBB1_5-.Ltmp2, $1  }
0x29: {  	_ =	sdelay $0x3  }
0x2a: {  	s14 =	simm.s32 $0x1  }
0x2b: {  	_ =	swait.ge [sflag:s4], $0x2000;
	s14 =	simm.s32 @!p0 $0x0  }
0x2c: {  	[sflag:s4] =	ssyncset.done $0x0;
	s15 =	sshll.u32 s14, $0xD  }
0x2d: {  	[sflag:s4] =	ssyncadd.s32 $0xFFFFE000;
	s18 =	sor.u32 $0x20, s15  }
0x2e: {  	s14 =	smul.u32 $0x8100, s14;
	v3 =	vld [tilespmem:s18+$0x10]  }
0x2f: {  	s30 =	sand.u32 $0x1, s11;
	v2 =	vld [tilespmem:s18+$0xFFFFFFF0]  }
0x30: {  	s15 =	smul.u32 $0x8100, s30;
	s14 =	sshrl.u32 s14, $0x2;
	v0 =	vld [tilespmem:s18+$0x0]  }
0x31: {  	v1 =	vld [tilespmem:s18+$0xFFFFFFE0];
	s16 =	sor.u32 $0x4000, s14  }
0x32: {  	s31 =	sshrl.u32 s15, $0x2;
	s15 =	sadd.s32 $0x0, s16  }
0x33: {  	s17 =	simm.s32 $0x4;
	s18 =	sadd.s32 $0x40, s18;
	s14 =	sor.u32 $0x4000, s31;
	[tilespmem:s15+$0x1830 ss:$0x81] =	vst.msk $0xffff, v3  }
.LBB1_3:
0x34: {  	v3 =	vld [tilespmem:s18+$0x10];
	p1 =	sne.s32 s17, $0x1FC;
	[tilespmem:s15+$0x810 ss:$0x81] =	vst.msk $0xffff, v2;
	s19 =	smov.u32 s17;
	s17 =	sadd.s32 $0x4, s17  }
.Ltmp3:
0x35: {  	v2 =	vld [tilespmem:s18+$0xFFFFFFF0];
	[tilespmem:s15+$0x1020 ss:$0x81] =	vst.msk $0xffff, v0;
	(pc) =	sbr.rel @p1 .LBB1_3-.Ltmp3, $4  }
0x36: {  	v0 =	vld [tilespmem:s18+$0x0];
	[tilespmem:s15+$0x0 ss:$0x81] =	vst.msk $0xffff, v1  }
0x37: {  	s15 =	sshra.s32 s19, $0x2;
	v1 =	vld [tilespmem:s18+$0xFFFFFFE0]  }
0x38: {  	s15 =	sadd.s32 s15, s16  }
0x39: {  	s18 =	sadd.s32 $0x40, s18;
	[tilespmem:s15+$0x1830 ss:$0x81] =	vst.msk $0xffff, v3  }
.Ltmp4:
0x3a: {  	_ = 	snop;
	(pc) =	sbr.rel .LBB1_4-.Ltmp4, $1  }
0x3b: {  	_ =	sdelay $0x3  }
.LBB1_6:
0x3c: {  	_ =	sfence.sel $0x180000  }
0x3d: {  	s2 =	simm.s32 $0x1;
	[bflag:$0x0] =	sbarrier.arrive $0xFFFF  }
0x3e: {  	s31 =	simm.s32 $0x2;
	[sflag:s2] =	ssyncpa.u1 $0x1  }
0x3f: {  	[sflag:s31] =	ssyncpa.u1 $0x1  }
0x40: {  	p0 =	sne.s32 s0, $0x0;
	_ =	strace $0x9000004A  }
0x41: {  	s0 =	sadd.s32 @!p0 $0x100000, s1;
	[bflag:$0x2] =	sbarrier.arrive $0xFFFF  }
0x42: {  	[sflag:s0] =	ssyncadd.tile.s32 @!p0 $0x1;
	_ =	shalt  }
.Lfunc_end1:
_tile_overlayer_lowered:
.L_overlay_start_2:
0x43: {  	(tag) =	ssettag $0x2  }
0x44: {  	s0 =	rddreg [dreg:$0x0];
	s2 =	stileid.u32  }
0x45: {  	s1 =	rddreg [dreg:$0x1];
	p0 =	sne.s32 s2, $0x0  }
0x46: {  	s3 =	rddreg [dreg:$0x2];
	[bflag:$0x3] =	sbarrier.arrive $0xFFFF;
	s2 =	simm.s32 @!p0 $0x1C01  }
0x47: {  	[timem:s3], [sflag:s2] =	dma.local @!p0 [hbm:s0], s1  }
0x48: {  	s0 =	simm.s32 @!p0 $0x1  }
0x49: {  	_ =	swait.ge @!p0 [sflag:s0], s1  }
0x4a: {  	s1 =	ssub.s32 @!p0 $0x0, s1;
	[sflag:s0] =	ssyncset.done @!p0 $0x0  }
0x4b: {  	[sflag:s0] =	ssyncadd.s32 @!p0 s1  }
0x4c: {  	[bflag:$0x3] =	sbarrier.arrive $0xFFFF  }
0x4d: {  	_ =	shalt  }

</sc_bundles>
